<compile_context>
chip_gen: v7x
topology: tpu7x:2x2x1
jax: 0.10.2.dev20260603
libtpu: 0.0.44.dev20260713+nightly
codegen_flags: <defaults>
</compile_context>

<pallas_src>
import functools

import jax
import jax.numpy as jnp
from jax import lax
from jax.experimental import pallas as pl
from jax.experimental.pallas import tpu as pltpu
from jax.experimental.pallas import tpu_sc as plsc

N = 100000
NW = 16
C = 6400
NP = NW * C
NSTEP = 10
KA = 4
KB = NSTEP - KA

GH, GC, GS = 33334, 2000, 200
GHP, GCP, GSP = 33792, 2048, 512
OC = GHP
OS = GHP + GCP
GTOT = GHP + GCP + GSP
ZCH = GTOT // NW
DEAD = GTOT - 1

_mesh = plsc.VectorSubcoreMesh(
    core_axis_name="c", subcore_axis_name="s", num_cores=1)

_f32 = jnp.float32


def _make_run(nsteps, first):
  out_type = [jax.ShapeDtypeStruct((nsteps * NP,), _f32),
              jax.ShapeDtypeStruct((NP,), _f32),
              jax.ShapeDtypeStruct((NP,), _f32)]
  if first:
    out_type += [jax.ShapeDtypeStruct((NP,), _f32)] * 3

  @functools.partial(
      pl.kernel,
      out_type=tuple(out_type),
      mesh=_mesh,
      compiler_params=pltpu.CompilerParams(needs_layout_passes=False),
      scratch_types=[
          pltpu.VMEM((C,), _f32),
          pltpu.VMEM((C,), _f32),
          pltpu.VMEM((C,), jnp.int32),
          pltpu.VMEM((C,), jnp.int32),
          pltpu.VMEM((C,), jnp.int32),
          pltpu.VMEM((C,), _f32),
          pltpu.VMEM((C,), _f32),
          pltpu.VMEM((C,), _f32),
          pltpu.VMEM((GTOT,), _f32),
          pltpu.VMEM((C,), _f32),
          pltpu.VMEM((C,), _f32),
          pltpu.VMEM((ZCH,), _f32),
          pltpu.VMEM_SHARED((GTOT,), _f32),
          pltpu.SemaphoreType.DMA,
          pltpu.SemaphoreType.DMA,
          pltpu.SemaphoreType.DMA,
      ],
  )
  def run(*refs):
    if first:
      (trans_hbm, susc_hbm, i0_hbm, i1_hbm, i2_hbm, bg_hbm, expd_hbm,
       rows_hbm, transo_hbm, susco_hbm, b0o_hbm, b1o_hbm, b2o_hbm,
       trans_v, susc_v, i0_v, i1_v, i2_v, b0_v, b1_v, b2_v,
       accl_v, expd_v, inf_v, zz_v, acc_sh, sem_a, sem_b, sem_c) = refs
    else:
      (trans_hbm, susc_hbm, i0_hbm, i1_hbm, i2_hbm,
       b0_hbm, b1_hbm, b2_hbm, expd_hbm,
       rows_hbm, transo_hbm, susco_hbm,
       trans_v, susc_v, i0_v, i1_v, i2_v, b0_v, b1_v, b2_v,
       accl_v, expd_v, inf_v, zz_v, acc_sh, sem_a, sem_b, sem_c) = refs

    wid = lax.axis_index("s")
    base = wid * C
    zb = wid * ZCH

    pltpu.sync_copy(trans_hbm.at[pl.ds(base, C)], trans_v)
    pltpu.sync_copy(susc_hbm.at[pl.ds(base, C)], susc_v)
    pltpu.sync_copy(i0_hbm.at[pl.ds(base, C)], i0_v)
    pltpu.sync_copy(i1_hbm.at[pl.ds(base, C)], i1_v)
    pltpu.sync_copy(i2_hbm.at[pl.ds(base, C)], i2_v)

    def _zfill(j, carry):
      zz_v[pl.ds(j * 16, 16)] = jnp.zeros((16,), _f32)
      return carry

    lax.fori_loop(0, ZCH // 16, _zfill, 0)

    if first:
      pltpu.sync_copy(bg_hbm.at[pl.ds(zb, ZCH)], inf_v.at[pl.ds(0, ZCH)])
      pltpu.sync_copy(inf_v.at[pl.ds(0, ZCH)], acc_sh.at[pl.ds(zb, ZCH)])
      plsc.subcore_barrier()
      pltpu.sync_copy(acc_sh.at[i0_v], b0_v)
      pltpu.sync_copy(acc_sh.at[i1_v], b1_v)
      pltpu.sync_copy(acc_sh.at[i2_v], b2_v)
      plsc.subcore_barrier()
      pltpu.sync_copy(b0_v, b0o_hbm.at[pl.ds(base, C)])
      pltpu.sync_copy(b1_v, b1o_hbm.at[pl.ds(base, C)])
      pltpu.sync_copy(b2_v, b2o_hbm.at[pl.ds(base, C)])
    else:
      pltpu.sync_copy(b0_hbm.at[pl.ds(base, C)], b0_v)
      pltpu.sync_copy(b1_hbm.at[pl.ds(base, C)], b1_v)
      pltpu.sync_copy(b2_hbm.at[pl.ds(base, C)], b2_v)

    pltpu.sync_copy(zz_v, acc_sh.at[pl.ds(zb, ZCH)])

    def _step(t, carry):
      cp_e = pltpu.async_copy(
          expd_hbm.at[pl.ds(t * NP + base, C)], expd_v, sem_b)
      plsc.subcore_barrier()

      c0 = pltpu.async_copy(trans_v, acc_sh.at[i0_v], sem_a, add=True)
      c1 = pltpu.async_copy(trans_v, acc_sh.at[i1_v], sem_a, add=True)
      c2 = pltpu.async_copy(trans_v, acc_sh.at[i2_v], sem_a, add=True)
      c0.wait()
      c1.wait()
      c2.wait()
      plsc.subcore_barrier()

      pltpu.sync_copy(acc_sh, accl_v)
      plsc.subcore_barrier()
      pltpu.sync_copy(zz_v, acc_sh.at[pl.ds(zb, ZCH)])
      cp_e.wait()

      def _drain(_):
        pltpu.make_async_copy(
            inf_v, rows_hbm.at[pl.ds(base, C)], sem_c).wait()
        return 0

      lax.cond(t > 0, _drain, lambda _: 0, 0)

      @plsc.parallel_loop(0, C // 16, unroll=8)
      def _lane(j):
        sl = pl.ds(j * 16, 16)
        s = susc_v[sl]
        a0 = (plsc.load_gather(accl_v, [i0_v[sl]]) * b0_v[sl]) * s
        a1 = (plsc.load_gather(accl_v, [i1_v[sl]]) * b1_v[sl]) * s
        a2 = (plsc.load_gather(accl_v, [i2_v[sl]]) * b2_v[sl]) * s
        ts = (a0 + a1) + a2
        p = jnp.exp(-ts)
        cond = (1.0 - p) + 1e-15 >= expd_v[sl] * (p + 1e-15)
        inf = jnp.where(cond, 1.0, 0.0)
        trans_v[sl] = trans_v[sl] + 0.2 * inf
        susc_v[sl] = s - inf
        inf_v[sl] = inf
      pltpu.async_copy(inf_v, rows_hbm.at[pl.ds(t * NP + base, C)], sem_c)
      return carry

    lax.fori_loop(0, nsteps, _step, 0)
    pltpu.make_async_copy(inf_v, rows_hbm.at[pl.ds(base, C)], sem_c).wait()
    pltpu.sync_copy(trans_v, transo_hbm.at[pl.ds(base, C)])
    pltpu.sync_copy(susc_v, susco_hbm.at[pl.ds(base, C)])

  return run


_run_first = _make_run(KA, True)
_run_rest = _make_run(KB, False)


def kernel(n_timesteps, transmissions, susceptibilities, beta_parameters,
           gid_household, gid_company, gid_school,
           ppl_household, ppl_company, ppl_school, sample_seed):
  del n_timesteps

  key = jax.random.key(sample_seed)
  subs = []
  for _ in range(NSTEP):
    key, sub = jax.random.split(key)
    subs.append(sub)

  def draw(sub):
    u = jax.random.uniform(sub, (2, N), dtype=_f32)
    el = -jnp.log(u + 1e-20) + 1e-20
    return el[0] / el[1]

  def pack(keys):
    e = jax.vmap(draw)(jnp.stack(keys))
    return jnp.pad(e, ((0, 0), (0, NP - N)), constant_values=1.0).reshape(-1)

  expd_a = pack(subs[:KA])
  expd_b = pack(subs[KA:])

  def bg(ppl, beta):
    return beta * jnp.minimum(1.0 / jnp.maximum(ppl - 1.0, 1.0), 1.0)

  betag = jnp.concatenate([
      jnp.pad(bg(ppl_household, beta_parameters[0]), (0, GHP - GH)),
      jnp.pad(bg(ppl_company, beta_parameters[1]), (0, GCP - GC)),
      jnp.pad(bg(ppl_school, beta_parameters[2]), (0, GSP - GS)),
  ])

  pad_i = lambda g, off: jnp.pad(g + off, (0, NP - N), constant_values=DEAD)
  i0 = pad_i(gid_household, 0)
  i1 = pad_i(gid_company, OC)
  i2 = pad_i(gid_school, OS)
  trans0 = jnp.pad(transmissions, (0, NP - N))
  susc0 = jnp.pad(susceptibilities, (0, NP - N), constant_values=1.0)

  rows_a, trans1, susc1, b0, b1, b2 = _run_first(
      trans0, susc0, i0, i1, i2, betag, expd_a)
  rows_b, _, _ = _run_rest(trans1, susc1, i0, i1, i2, b0, b1, b2, expd_b)

  rows = jnp.concatenate([rows_a.reshape(KA, NP), rows_b.reshape(KB, NP)])
  return rows[:, :N]

# --- scband reference (transcript-rebuilt; emitter-appended) ---
"""Pipeline reference for scband-torch-june-75222057222556 (READ-ONLY COPY).

The authoritative reference and input builder live on the scoring server;
editing this copy changes nothing except your own understanding.
"""

import jax, jax.numpy as jnp
import numpy as np

N_AGENTS = 100000
GROUP_SIZES = [("household", 33334), ("company", 2000), ("school", 200)]
TAU = 0.1


def _build_graph():
    rng = np.random.default_rng(0)
    gids, ppls = [], []
    for name, n_groups in GROUP_SIZES:
        gid = rng.integers(0, n_groups, size=N_AGENTS)
        gids.append(jnp.asarray(gid, dtype=jnp.int32))
        ppls.append(jnp.asarray(np.bincount(gid, minlength=n_groups), dtype=jnp.float32))
    return gids, ppls


def setup_inputs(seed: int = 0) -> dict:
    key = jax.random.key(seed)
    gids, ppls = _build_graph()
    transmissions = jax.random.uniform(jax.random.fold_in(key, 1), (N_AGENTS,), dtype=jnp.float32) * 0.1
    susceptibilities = jnp.ones((N_AGENTS,), dtype=jnp.float32)
    beta_parameters = jnp.array([0.5, 0.3, 0.4], dtype=jnp.float32)  # household, company, school
    return {
        "n_timesteps": 10,
        "transmissions": transmissions,
        "susceptibilities": susceptibilities,
        "beta_parameters": beta_parameters,
        "gid_household": gids[0],
        "gid_company": gids[1],
        "gid_school": gids[2],
        "ppl_household": ppls[0],
        "ppl_company": ppls[1],
        "ppl_school": ppls[2],
        "sample_seed": 42,
    }


def _one_step(transmissions, susceptibilities, beta_parameters, gids, ppls, key):
    # InfectionPassing: for each edge type, agent->group scatter-add of transmissions
    # weighted by beta*p_contact at the group, then group->agent gather weighted by
    # susceptibility at the agent (message = x_j * y_i in both directions).
    trans_susc = jnp.zeros((N_AGENTS,), dtype=jnp.float32)
    for i in range(len(gids)):
        p_contact = jnp.minimum(1.0 / jnp.maximum(ppls[i] - 1.0, 1.0), 1.0)
        beta_g = beta_parameters[i] * p_contact  # [G_i]
        cum = jax.ops.segment_sum(transmissions, gids[i], num_segments=ppls[i].shape[0]) * beta_g
        trans_susc = trans_susc + cum[gids[i]] * susceptibilities
    not_infected_probs = jnp.exp(-trans_susc)
    probs = jnp.stack([1.0 - not_infected_probs, not_infected_probs], axis=0)
    logits = jnp.log(probs + 1e-15)
    u = jax.random.uniform(key, logits.shape, dtype=jnp.float32)
    g = -jnp.log(-jnp.log(u + 1e-20) + 1e-20)
    y = jax.nn.softmax((logits + g) / TAU, axis=0)
    y0 = y[0]
    hard = (jnp.argmax(y, axis=0) == 0).astype(jnp.float32)
    # straight-through hard gumbel-softmax, row 0 = infected indicator
    return hard - jax.lax.stop_gradient(y0) + y0


def reference(n_timesteps, transmissions, susceptibilities, beta_parameters,
              gid_household, gid_company, gid_school,
              ppl_household, ppl_company, ppl_school, sample_seed):
    gids = (gid_household, gid_company, gid_school)
    ppls = (ppl_household, ppl_company, ppl_school)
    key = jax.random.key(sample_seed)
    transmissions = transmissions + 0.0 * jnp.asarray(n_timesteps, dtype=jnp.float32)

    def step(carry, _):
        key, trans, susc = carry
        key, sub = jax.random.split(key)
        new_infected = _one_step(trans, susc, beta_parameters, gids, ppls, sub)
        trans = trans + 0.2 * new_infected
        susc = susc - new_infected
        return (key, trans, susc), new_infected

    _, rows = jax.lax.scan(step, (key, transmissions, susceptibilities), None, length=10)
    return rows

if __name__ == "__main__":
    import jax
    _d = setup_inputs()
    print(jax.jit(kernel)(*tuple(_d.values())))

</pallas_src>

<mosaic_0001>
#map = affine_map<(d0, d1) -> (0)>
module attributes {stable_mosaic.version = 14 : i64} {
  func.func @run(%arg0: i32, %arg1: i32, %arg2: memref<102400xf32, #tpu.memory_space<hbm>>, %arg3: memref<102400xf32, #tpu.memory_space<hbm>>, %arg4: memref<102400xi32, #tpu.memory_space<hbm>>, %arg5: memref<102400xi32, #tpu.memory_space<hbm>>, %arg6: memref<102400xi32, #tpu.memory_space<hbm>>, %arg7: memref<36352xf32, #tpu.memory_space<hbm>>, %arg8: memref<409600xf32, #tpu.memory_space<hbm>>, %arg9: memref<409600xf32, #tpu.memory_space<hbm>>, %arg10: memref<102400xf32, #tpu.memory_space<hbm>>, %arg11: memref<102400xf32, #tpu.memory_space<hbm>>, %arg12: memref<102400xf32, #tpu.memory_space<hbm>>, %arg13: memref<102400xf32, #tpu.memory_space<hbm>>, %arg14: memref<102400xf32, #tpu.memory_space<hbm>>, %arg15: memref<6400xf32, #tpu.memory_space<vmem>>, %arg16: memref<6400xf32, #tpu.memory_space<vmem>>, %arg17: memref<6400xi32, #tpu.memory_space<vmem>>, %arg18: memref<6400xi32, #tpu.memory_space<vmem>>, %arg19: memref<6400xi32, #tpu.memory_space<vmem>>, %arg20: memref<6400xf32, #tpu.memory_space<vmem>>, %arg21: memref<6400xf32, #tpu.memory_space<vmem>>, %arg22: memref<6400xf32, #tpu.memory_space<vmem>>, %arg23: memref<36352xf32, #tpu.memory_space<vmem>>, %arg24: memref<6400xf32, #tpu.memory_space<vmem>>, %arg25: memref<6400xf32, #tpu.memory_space<vmem>>, %arg26: memref<2272xf32, #tpu.memory_space<vmem>>, %arg27: memref<36352xf32, #tpu.memory_space<vmem_shared>>, %arg28: memref<!tpu.dma_semaphore, #tpu.memory_space<semaphore_mem>>, %arg29: memref<!tpu.dma_semaphore, #tpu.memory_space<semaphore_mem>>, %arg30: memref<!tpu.dma_semaphore, #tpu.memory_space<semaphore_mem>>) attributes {dimension_semantics = [#tpu.dimension_semantics<core_parallel>, #tpu.dimension_semantics<subcore_parallel>], iteration_bounds = array<i64: 1, 16>, scalar_prefetch = 0 : i64, scratch_operands = 16 : i64, tpu.core_type = #tpu.core_type<sc_vector_subcore>, window_params = [{transform_indices = #map}, {transform_indices = #map}, {transform_indices = #map}, {transform_indices = #map}, {transform_indices = #map}, {transform_indices = #map}, {transform_indices = #map}, {transform_indices = #map}, {transform_indices = #map}, {transform_indices = #map}, {transform_indices = #map}, {transform_indices = #map}, {transform_indices = #map}]} {
    %mul3A = arith.constant 6400 : i32
    %mul3A_0 = arith.muli %arg1, %mul3A : i32
    %mul3A_1 = arith.constant 2272 : i32
    %mul3A_2 = arith.muli %arg1, %mul3A_1 : i32
    "tpu.region"() ({
      %run_scoped3A = tpu.sem_alloc : memref<!tpu.dma_semaphore, #tpu.memory_space<semaphore_mem>>
      %dma_start3A = tpu.memref_slice %arg2[%mul3A_0] : memref<102400xf32, #tpu.memory_space<hbm>> -> memref<6400xf32, #tpu.memory_space<hbm>>
      %dma_start3A_16 = tpu.memref_slice %arg2[%mul3A_0] : memref<102400xf32, #tpu.memory_space<hbm>> -> memref<6400xf32, #tpu.memory_space<hbm>>
      tpu.enqueue_dma source(%dma_start3A_16 : memref<6400xf32, #tpu.memory_space<hbm>>) target(%arg15 : memref<6400xf32, #tpu.memory_space<vmem>>) target_semaphore(%run_scoped3A : memref<!tpu.dma_semaphore, #tpu.memory_space<semaphore_mem>>)
      %dma_wait3A_17 = tpu.memref_slice %arg2[%mul3A_0] : memref<102400xf32, #tpu.memory_space<hbm>> -> memref<6400xf32, #tpu.memory_space<hbm>>
      %dma_wait3A_18 = tpu.memref_slice %arg2[%mul3A_0] : memref<102400xf32, #tpu.memory_space<hbm>> -> memref<6400xf32, #tpu.memory_space<hbm>>
      tpu.wait_dma2 semaphore(%run_scoped3A : memref<!tpu.dma_semaphore, #tpu.memory_space<semaphore_mem>>) src(%dma_wait3A_18 : memref<6400xf32, #tpu.memory_space<hbm>>) dst(%arg15 : memref<6400xf32, #tpu.memory_space<vmem>>)
      tpu.yield
    }) : () -> ()
    "tpu.region"() ({
      %run_scoped3A = tpu.sem_alloc : memref<!tpu.dma_semaphore, #tpu.memory_space<semaphore_mem>>
      %dma_start3A = tpu.memref_slice %arg3[%mul3A_0] : memref<102400xf32, #tpu.memory_space<hbm>> -> memref<6400xf32, #tpu.memory_space<hbm>>
      %dma_start3A_16 = tpu.memref_slice %arg3[%mul3A_0] : memref<102400xf32, #tpu.memory_space<hbm>> -> memref<6400xf32, #tpu.memory_space<hbm>>
      tpu.enqueue_dma source(%dma_start3A_16 : memref<6400xf32, #tpu.memory_space<hbm>>) target(%arg16 : memref<6400xf32, #tpu.memory_space<vmem>>) target_semaphore(%run_scoped3A : memref<!tpu.dma_semaphore, #tpu.memory_space<semaphore_mem>>)
      %dma_wait3A_17 = tpu.memref_slice %arg3[%mul3A_0] : memref<102400xf32, #tpu.memory_space<hbm>> -> memref<6400xf32, #tpu.memory_space<hbm>>
      %dma_wait3A_18 = tpu.memref_slice %arg3[%mul3A_0] : memref<102400xf32, #tpu.memory_space<hbm>> -> memref<6400xf32, #tpu.memory_space<hbm>>
      tpu.wait_dma2 semaphore(%run_scoped3A : memref<!tpu.dma_semaphore, #tpu.memory_space<semaphore_mem>>) src(%dma_wait3A_18 : memref<6400xf32, #tpu.memory_space<hbm>>) dst(%arg16 : memref<6400xf32, #tpu.memory_space<vmem>>)
      tpu.yield
    }) : () -> ()
    "tpu.region"() ({
      %run_scoped3A = tpu.sem_alloc : memref<!tpu.dma_semaphore, #tpu.memory_space<semaphore_mem>>
      %dma_start3A = tpu.memref_slice %arg4[%mul3A_0] : memref<102400xi32, #tpu.memory_space<hbm>> -> memref<6400xi32, #tpu.memory_space<hbm>>
      %dma_start3A_16 = tpu.memref_slice %arg4[%mul3A_0] : memref<102400xi32, #tpu.memory_space<hbm>> -> memref<6400xi32, #tpu.memory_space<hbm>>
      tpu.enqueue_dma source(%dma_start3A_16 : memref<6400xi32, #tpu.memory_space<hbm>>) target(%arg17 : memref<6400xi32, #tpu.memory_space<vmem>>) target_semaphore(%run_scoped3A : memref<!tpu.dma_semaphore, #tpu.memory_space<semaphore_mem>>)
      %dma_wait3A_17 = tpu.memref_slice %arg4[%mul3A_0] : memref<102400xi32, #tpu.memory_space<hbm>> -> memref<6400xi32, #tpu.memory_space<hbm>>
      %dma_wait3A_18 = tpu.memref_slice %arg4[%mul3A_0] : memref<102400xi32, #tpu.memory_space<hbm>> -> memref<6400xi32, #tpu.memory_space<hbm>>
      tpu.wait_dma2 semaphore(%run_scoped3A : memref<!tpu.dma_semaphore, #tpu.memory_space<semaphore_mem>>) src(%dma_wait3A_18 : memref<6400xi32, #tpu.memory_space<hbm>>) dst(%arg17 : memref<6400xi32, #tpu.memory_space<vmem>>)
      tpu.yield
    }) : () -> ()
    "tpu.region"() ({
      %run_scoped3A = tpu.sem_alloc : memref<!tpu.dma_semaphore, #tpu.memory_space<semaphore_mem>>
      %dma_start3A = tpu.memref_slice %arg5[%mul3A_0] : memref<102400xi32, #tpu.memory_space<hbm>> -> memref<6400xi32, #tpu.memory_space<hbm>>
      %dma_start3A_16 = tpu.memref_slice %arg5[%mul3A_0] : memref<102400xi32, #tpu.memory_space<hbm>> -> memref<6400xi32, #tpu.memory_space<hbm>>
      tpu.enqueue_dma source(%dma_start3A_16 : memref<6400xi32, #tpu.memory_space<hbm>>) target(%arg18 : memref<6400xi32, #tpu.memory_space<vmem>>) target_semaphore(%run_scoped3A : memref<!tpu.dma_semaphore, #tpu.memory_space<semaphore_mem>>)
      %dma_wait3A_17 = tpu.memref_slice %arg5[%mul3A_0] : memref<102400xi32, #tpu.memory_space<hbm>> -> memref<6400xi32, #tpu.memory_space<hbm>>
      %dma_wait3A_18 = tpu.memref_slice %arg5[%mul3A_0] : memref<102400xi32, #tpu.memory_space<hbm>> -> memref<6400xi32, #tpu.memory_space<hbm>>
      tpu.wait_dma2 semaphore(%run_scoped3A : memref<!tpu.dma_semaphore, #tpu.memory_space<semaphore_mem>>) src(%dma_wait3A_18 : memref<6400xi32, #tpu.memory_space<hbm>>) dst(%arg18 : memref<6400xi32, #tpu.memory_space<vmem>>)
      tpu.yield
    }) : () -> ()
    "tpu.region"() ({
      %run_scoped3A = tpu.sem_alloc : memref<!tpu.dma_semaphore, #tpu.memory_space<semaphore_mem>>
      %dma_start3A = tpu.memref_slice %arg6[%mul3A_0] : memref<102400xi32, #tpu.memory_space<hbm>> -> memref<6400xi32, #tpu.memory_space<hbm>>
      %dma_start3A_16 = tpu.memref_slice %arg6[%mul3A_0] : memref<102400xi32, #tpu.memory_space<hbm>> -> memref<6400xi32, #tpu.memory_space<hbm>>
      tpu.enqueue_dma source(%dma_start3A_16 : memref<6400xi32, #tpu.memory_space<hbm>>) target(%arg19 : memref<6400xi32, #tpu.memory_space<vmem>>) target_semaphore(%run_scoped3A : memref<!tpu.dma_semaphore, #tpu.memory_space<semaphore_mem>>)
      %dma_wait3A_17 = tpu.memref_slice %arg6[%mul3A_0] : memref<102400xi32, #tpu.memory_space<hbm>> -> memref<6400xi32, #tpu.memory_space<hbm>>
      %dma_wait3A_18 = tpu.memref_slice %arg6[%mul3A_0] : memref<102400xi32, #tpu.memory_space<hbm>> -> memref<6400xi32, #tpu.memory_space<hbm>>
      tpu.wait_dma2 semaphore(%run_scoped3A : memref<!tpu.dma_semaphore, #tpu.memory_space<semaphore_mem>>) src(%dma_wait3A_18 : memref<6400xi32, #tpu.memory_space<hbm>>) dst(%arg19 : memref<6400xi32, #tpu.memory_space<vmem>>)
      tpu.yield
    }) : () -> ()
    %scan3A = arith.constant 0 : i32
    %scan3A_3 = arith.constant 0 : i32
    %scan3A_4 = arith.constant 142 : i32
    %scan3A_5 = arith.addi %scan3A_3, %scan3A_4 : i32
    %scan3A_6 = arith.constant 1 : i32
    scf.for %scan3A_16 = %scan3A_3 to %scan3A_5 step %scan3A_6  : i32 {
      %broadcast_in_dim3A = arith.constant 0.000000e+00 : f32
      %broadcast_in_dim3A_17 = vector.broadcast %broadcast_in_dim3A : f32 to vector<16xf32>
      %mul3A_18 = arith.constant 16 : i32
      %mul3A_19 = arith.muli %scan3A_16, %mul3A_18 : i32
      %swap3A = arith.index_cast %mul3A_19 : i32 to index
      %swap3A_20 = tpu.vector_load %arg26[%swap3A] {strides = array<i32>} : memref<2272xf32, #tpu.memory_space<vmem>>, vector<16xf32>,
      tpu.vector_store %arg26[%swap3A], %broadcast_in_dim3A_17 {strides = array<i32>} : memref<2272xf32, #tpu.memory_space<vmem>>, vector<16xf32>,
    }
    %scan3A_7 = arith.constant 142 : i32
    "tpu.region"() ({
      %run_scoped3A = tpu.sem_alloc : memref<!tpu.dma_semaphore, #tpu.memory_space<semaphore_mem>>
      %dma_start3A = arith.constant 0 : i32
      %dma_start3A_16 = tpu.memref_slice %arg25[%dma_start3A] : memref<6400xf32, #tpu.memory_space<vmem>> -> memref<2272xf32, #tpu.memory_space<vmem>>
      %dma_start3A_17 = tpu.memref_slice %arg7[%mul3A_2] : memref<36352xf32, #tpu.memory_space<hbm>> -> memref<2272xf32, #tpu.memory_space<hbm>>
      %dma_start3A_18 = arith.constant 0 : i32
      %dma_start3A_19 = tpu.memref_slice %arg25[%dma_start3A_18] : memref<6400xf32, #tpu.memory_space<vmem>> -> memref<2272xf32, #tpu.memory_space<vmem>>
      %dma_start3A_20 = tpu.memref_slice %arg7[%mul3A_2] : memref<36352xf32, #tpu.memory_space<hbm>> -> memref<2272xf32, #tpu.memory_space<hbm>>
      tpu.enqueue_dma source(%dma_start3A_20 : memref<2272xf32, #tpu.memory_space<hbm>>) target(%dma_start3A_19 : memref<2272xf32, #tpu.memory_space<vmem>>) target_semaphore(%run_scoped3A : memref<!tpu.dma_semaphore, #tpu.memory_space<semaphore_mem>>)
      %dma_wait3A_21 = arith.constant 0 : i32
      %dma_wait3A_22 = tpu.memref_slice %arg25[%dma_wait3A_21] : memref<6400xf32, #tpu.memory_space<vmem>> -> memref<2272xf32, #tpu.memory_space<vmem>>
      %dma_wait3A_23 = tpu.memref_slice %arg7[%mul3A_2] : memref<36352xf32, #tpu.memory_space<hbm>> -> memref<2272xf32, #tpu.memory_space<hbm>>
      %dma_wait3A_24 = arith.constant 0 : i32
      %dma_wait3A_25 = tpu.memref_slice %arg25[%dma_wait3A_24] : memref<6400xf32, #tpu.memory_space<vmem>> -> memref<2272xf32, #tpu.memory_space<vmem>>
      %dma_wait3A_26 = tpu.memref_slice %arg7[%mul3A_2] : memref<36352xf32, #tpu.memory_space<hbm>> -> memref<2272xf32, #tpu.memory_space<hbm>>
      tpu.wait_dma2 semaphore(%run_scoped3A : memref<!tpu.dma_semaphore, #tpu.memory_space<semaphore_mem>>) src(%dma_wait3A_26 : memref<2272xf32, #tpu.memory_space<hbm>>) dst(%dma_wait3A_25 : memref<2272xf32, #tpu.memory_space<vmem>>)
      tpu.yield
    }) : () -> ()
    "tpu.region"() ({
      %run_scoped3A = tpu.sem_alloc : memref<!tpu.dma_semaphore, #tpu.memory_space<semaphore_mem>>
      %dma_start3A = arith.constant 0 : i32
      %dma_start3A_16 = tpu.memref_slice %arg25[%dma_start3A] : memref<6400xf32, #tpu.memory_space<vmem>> -> memref<2272xf32, #tpu.memory_space<vmem>>
      %dma_start3A_17 = tpu.memref_slice %arg27[%mul3A_2] : memref<36352xf32, #tpu.memory_space<vmem_shared>> -> memref<2272xf32, #tpu.memory_space<vmem_shared>>
      %dma_start3A_18 = tpu.memref_slice %arg27[%mul3A_2] : memref<36352xf32, #tpu.memory_space<vmem_shared>> -> memref<2272xf32, #tpu.memory_space<vmem_shared>>
      %dma_start3A_19 = arith.constant 0 : i32
      %dma_start3A_20 = tpu.memref_slice %arg25[%dma_start3A_19] : memref<6400xf32, #tpu.memory_space<vmem>> -> memref<2272xf32, #tpu.memory_space<vmem>>
      tpu.enqueue_dma source(%dma_start3A_20 : memref<2272xf32, #tpu.memory_space<vmem>>) target(%dma_start3A_18 : memref<2272xf32, #tpu.memory_space<vmem_shared>>) target_semaphore(%run_scoped3A : memref<!tpu.dma_semaphore, #tpu.memory_space<semaphore_mem>>)
      %dma_wait3A_21 = arith.constant 0 : i32
      %dma_wait3A_22 = tpu.memref_slice %arg25[%dma_wait3A_21] : memref<6400xf32, #tpu.memory_space<vmem>> -> memref<2272xf32, #tpu.memory_space<vmem>>
      %dma_wait3A_23 = tpu.memref_slice %arg27[%mul3A_2] : memref<36352xf32, #tpu.memory_space<vmem_shared>> -> memref<2272xf32, #tpu.memory_space<vmem_shared>>
      %dma_wait3A_24 = tpu.memref_slice %arg27[%mul3A_2] : memref<36352xf32, #tpu.memory_space<vmem_shared>> -> memref<2272xf32, #tpu.memory_space<vmem_shared>>
      %dma_wait3A_25 = arith.constant 0 : i32
      %dma_wait3A_26 = tpu.memref_slice %arg25[%dma_wait3A_25] : memref<6400xf32, #tpu.memory_space<vmem>> -> memref<2272xf32, #tpu.memory_space<vmem>>
      tpu.wait_dma2 semaphore(%run_scoped3A : memref<!tpu.dma_semaphore, #tpu.memory_space<semaphore_mem>>) src(%dma_wait3A_26 : memref<2272xf32, #tpu.memory_space<vmem>>) dst(%dma_wait3A_24 : memref<2272xf32, #tpu.memory_space<vmem_shared>>)
      tpu.yield
    }) : () -> ()
    %barrier3A = arith.constant 0 : index
    tpu.barrier barrier_id(%barrier3A)
    "tpu.region"() ({
      %run_scoped3A = tpu.sem_alloc : memref<!tpu.dma_semaphore, #tpu.memory_space<semaphore_mem>>
      %dma_start3A = arith.constant 0 : i32
      %dma_start3A_16 = tpu.memref_slice %arg27[%dma_start3A] : memref<36352xf32, #tpu.memory_space<vmem_shared>> -> memref<36352xf32, #tpu.memory_space<vmem_shared>>
      tpu.enqueue_indirect_dma source(%dma_start3A_16 : memref<36352xf32, #tpu.memory_space<vmem_shared>>) target(%arg20 : memref<6400xf32, #tpu.memory_space<vmem>>) offsets(%arg17 : memref<6400xi32, #tpu.memory_space<vmem>>) semaphore(%run_scoped3A : memref<!tpu.dma_semaphore, #tpu.memory_space<semaphore_mem>>)
      %dma_wait3A_17 = arith.constant 0 : i32
      %dma_wait3A_18 = tpu.memref_slice %arg27[%dma_wait3A_17] : memref<36352xf32, #tpu.memory_space<vmem_shared>> -> memref<36352xf32, #tpu.memory_space<vmem_shared>>
      tpu.wait_indirect_dma semaphore(%run_scoped3A : memref<!tpu.dma_semaphore, #tpu.memory_space<semaphore_mem>>) src(%dma_wait3A_18 : memref<36352xf32, #tpu.memory_space<vmem_shared>>) dst(%arg20 : memref<6400xf32, #tpu.memory_space<vmem>>)
      tpu.yield
    }) : () -> ()
    "tpu.region"() ({
      %run_scoped3A = tpu.sem_alloc : memref<!tpu.dma_semaphore, #tpu.memory_space<semaphore_mem>>
      %dma_start3A = arith.constant 0 : i32
      %dma_start3A_16 = tpu.memref_slice %arg27[%dma_start3A] : memref<36352xf32, #tpu.memory_space<vmem_shared>> -> memref<36352xf32, #tpu.memory_space<vmem_shared>>
      tpu.enqueue_indirect_dma source(%dma_start3A_16 : memref<36352xf32, #tpu.memory_space<vmem_shared>>) target(%arg21 : memref<6400xf32, #tpu.memory_space<vmem>>) offsets(%arg18 : memref<6400xi32, #tpu.memory_space<vmem>>) semaphore(%run_scoped3A : memref<!tpu.dma_semaphore, #tpu.memory_space<semaphore_mem>>)
      %dma_wait3A_17 = arith.constant 0 : i32
      %dma_wait3A_18 = tpu.memref_slice %arg27[%dma_wait3A_17] : memref<36352xf32, #tpu.memory_space<vmem_shared>> -> memref<36352xf32, #tpu.memory_space<vmem_shared>>
      tpu.wait_indirect_dma semaphore(%run_scoped3A : memref<!tpu.dma_semaphore, #tpu.memory_space<semaphore_mem>>) src(%dma_wait3A_18 : memref<36352xf32, #tpu.memory_space<vmem_shared>>) dst(%arg21 : memref<6400xf32, #tpu.memory_space<vmem>>)
      tpu.yield
    }) : () -> ()
    "tpu.region"() ({
      %run_scoped3A = tpu.sem_alloc : memref<!tpu.dma_semaphore, #tpu.memory_space<semaphore_mem>>
      %dma_start3A = arith.constant 0 : i32
      %dma_start3A_16 = tpu.memref_slice %arg27[%dma_start3A] : memref<36352xf32, #tpu.memory_space<vmem_shared>> -> memref<36352xf32, #tpu.memory_space<vmem_shared>>
      tpu.enqueue_indirect_dma source(%dma_start3A_16 : memref<36352xf32, #tpu.memory_space<vmem_shared>>) target(%arg22 : memref<6400xf32, #tpu.memory_space<vmem>>) offsets(%arg19 : memref<6400xi32, #tpu.memory_space<vmem>>) semaphore(%run_scoped3A : memref<!tpu.dma_semaphore, #tpu.memory_space<semaphore_mem>>)
      %dma_wait3A_17 = arith.constant 0 : i32
      %dma_wait3A_18 = tpu.memref_slice %arg27[%dma_wait3A_17] : memref<36352xf32, #tpu.memory_space<vmem_shared>> -> memref<36352xf32, #tpu.memory_space<vmem_shared>>
      tpu.wait_indirect_dma semaphore(%run_scoped3A : memref<!tpu.dma_semaphore, #tpu.memory_space<semaphore_mem>>) src(%dma_wait3A_18 : memref<36352xf32, #tpu.memory_space<vmem_shared>>) dst(%arg22 : memref<6400xf32, #tpu.memory_space<vmem>>)
      tpu.yield
    }) : () -> ()
    %barrier3A_8 = arith.constant 0 : index
    tpu.barrier barrier_id(%barrier3A_8)
    "tpu.region"() ({
      %run_scoped3A = tpu.sem_alloc : memref<!tpu.dma_semaphore, #tpu.memory_space<semaphore_mem>>
      %dma_start3A = tpu.memref_slice %arg12[%mul3A_0] : memref<102400xf32, #tpu.memory_space<hbm>> -> memref<6400xf32, #tpu.memory_space<hbm>>
      %dma_start3A_16 = tpu.memref_slice %arg12[%mul3A_0] : memref<102400xf32, #tpu.memory_space<hbm>> -> memref<6400xf32, #tpu.memory_space<hbm>>
      tpu.enqueue_dma source(%arg20 : memref<6400xf32, #tpu.memory_space<vmem>>) target(%dma_start3A_16 : memref<6400xf32, #tpu.memory_space<hbm>>) target_semaphore(%run_scoped3A : memref<!tpu.dma_semaphore, #tpu.memory_space<semaphore_mem>>)
      %dma_wait3A_17 = tpu.memref_slice %arg12[%mul3A_0] : memref<102400xf32, #tpu.memory_space<hbm>> -> memref<6400xf32, #tpu.memory_space<hbm>>
      %dma_wait3A_18 = tpu.memref_slice %arg12[%mul3A_0] : memref<102400xf32, #tpu.memory_space<hbm>> -> memref<6400xf32, #tpu.memory_space<hbm>>
      tpu.wait_dma2 semaphore(%run_scoped3A : memref<!tpu.dma_semaphore, #tpu.memory_space<semaphore_mem>>) src(%arg20 : memref<6400xf32, #tpu.memory_space<vmem>>) dst(%dma_wait3A_18 : memref<6400xf32, #tpu.memory_space<hbm>>)
      tpu.yield
    }) : () -> ()
    "tpu.region"() ({
      %run_scoped3A = tpu.sem_alloc : memref<!tpu.dma_semaphore, #tpu.memory_space<semaphore_mem>>
      %dma_start3A = tpu.memref_slice %arg13[%mul3A_0] : memref<102400xf32, #tpu.memory_space<hbm>> -> memref<6400xf32, #tpu.memory_space<hbm>>
      %dma_start3A_16 = tpu.memref_slice %arg13[%mul3A_0] : memref<102400xf32, #tpu.memory_space<hbm>> -> memref<6400xf32, #tpu.memory_space<hbm>>
      tpu.enqueue_dma source(%arg21 : memref<6400xf32, #tpu.memory_space<vmem>>) target(%dma_start3A_16 : memref<6400xf32, #tpu.memory_space<hbm>>) target_semaphore(%run_scoped3A : memref<!tpu.dma_semaphore, #tpu.memory_space<semaphore_mem>>)
      %dma_wait3A_17 = tpu.memref_slice %arg13[%mul3A_0] : memref<102400xf32, #tpu.memory_space<hbm>> -> memref<6400xf32, #tpu.memory_space<hbm>>
      %dma_wait3A_18 = tpu.memref_slice %arg13[%mul3A_0] : memref<102400xf32, #tpu.memory_space<hbm>> -> memref<6400xf32, #tpu.memory_space<hbm>>
      tpu.wait_dma2 semaphore(%run_scoped3A : memref<!tpu.dma_semaphore, #tpu.memory_space<semaphore_mem>>) src(%arg21 : memref<6400xf32, #tpu.memory_space<vmem>>) dst(%dma_wait3A_18 : memref<6400xf32, #tpu.memory_space<hbm>>)
      tpu.yield
    }) : () -> ()
    "tpu.region"() ({
      %run_scoped3A = tpu.sem_alloc : memref<!tpu.dma_semaphore, #tpu.memory_space<semaphore_mem>>
      %dma_start3A = tpu.memref_slice %arg14[%mul3A_0] : memref<102400xf32, #tpu.memory_space<hbm>> -> memref<6400xf32, #tpu.memory_space<hbm>>
      %dma_start3A_16 = tpu.memref_slice %arg14[%mul3A_0] : memref<102400xf32, #tpu.memory_space<hbm>> -> memref<6400xf32, #tpu.memory_space<hbm>>
      tpu.enqueue_dma source(%arg22 : memref<6400xf32, #tpu.memory_space<vmem>>) target(%dma_start3A_16 : memref<6400xf32, #tpu.memory_space<hbm>>) target_semaphore(%run_scoped3A : memref<!tpu.dma_semaphore, #tpu.memory_space<semaphore_mem>>)
      %dma_wait3A_17 = tpu.memref_slice %arg14[%mul3A_0] : memref<102400xf32, #tpu.memory_space<hbm>> -> memref<6400xf32, #tpu.memory_space<hbm>>
      %dma_wait3A_18 = tpu.memref_slice %arg14[%mul3A_0] : memref<102400xf32, #tpu.memory_space<hbm>> -> memref<6400xf32, #tpu.memory_space<hbm>>
      tpu.wait_dma2 semaphore(%run_scoped3A : memref<!tpu.dma_semaphore, #tpu.memory_space<semaphore_mem>>) src(%arg22 : memref<6400xf32, #tpu.memory_space<vmem>>) dst(%dma_wait3A_18 : memref<6400xf32, #tpu.memory_space<hbm>>)
      tpu.yield
    }) : () -> ()
    "tpu.region"() ({
      %run_scoped3A = tpu.sem_alloc : memref<!tpu.dma_semaphore, #tpu.memory_space<semaphore_mem>>
      %dma_start3A = tpu.memref_slice %arg27[%mul3A_2] : memref<36352xf32, #tpu.memory_space<vmem_shared>> -> memref<2272xf32, #tpu.memory_space<vmem_shared>>
      %dma_start3A_16 = tpu.memref_slice %arg27[%mul3A_2] : memref<36352xf32, #tpu.memory_space<vmem_shared>> -> memref<2272xf32, #tpu.memory_space<vmem_shared>>
      tpu.enqueue_dma source(%arg26 : memref<2272xf32, #tpu.memory_space<vmem>>) target(%dma_start3A_16 : memref<2272xf32, #tpu.memory_space<vmem_shared>>) target_semaphore(%run_scoped3A : memref<!tpu.dma_semaphore, #tpu.memory_space<semaphore_mem>>)
      %dma_wait3A_17 = tpu.memref_slice %arg27[%mul3A_2] : memref<36352xf32, #tpu.memory_space<vmem_shared>> -> memref<2272xf32, #tpu.memory_space<vmem_shared>>
      %dma_wait3A_18 = tpu.memref_slice %arg27[%mul3A_2] : memref<36352xf32, #tpu.memory_space<vmem_shared>> -> memref<2272xf32, #tpu.memory_space<vmem_shared>>
      tpu.wait_dma2 semaphore(%run_scoped3A : memref<!tpu.dma_semaphore, #tpu.memory_space<semaphore_mem>>) src(%arg26 : memref<2272xf32, #tpu.memory_space<vmem>>) dst(%dma_wait3A_18 : memref<2272xf32, #tpu.memory_space<vmem_shared>>)
      tpu.yield
    }) : () -> ()
    %scan3A_9 = arith.constant 0 : i32
    %scan3A_10 = arith.constant 0 : i32
    %scan3A_11 = arith.constant 4 : i32
    %scan3A_12 = arith.addi %scan3A_10, %scan3A_11 : i32
    %scan3A_13 = arith.constant 1 : i32
    scf.for %scan3A_16 = %scan3A_10 to %scan3A_12 step %scan3A_13  : i32 {
      %mul3A_17 = arith.constant 102400 : i32
      %mul3A_18 = arith.muli %scan3A_16, %mul3A_17 : i32
      %add3A = arith.addi %mul3A_18, %mul3A_0 : i32
      %dma_start3A = tpu.memref_slice %arg8[%add3A] : memref<409600xf32, #tpu.memory_space<hbm>> -> memref<6400xf32, #tpu.memory_space<hbm>>
      %dma_start3A_19 = tpu.memref_slice %arg8[%add3A] : memref<409600xf32, #tpu.memory_space<hbm>> -> memref<6400xf32, #tpu.memory_space<hbm>>
      tpu.enqueue_dma source(%dma_start3A_19 : memref<6400xf32, #tpu.memory_space<hbm>>) target(%arg24 : memref<6400xf32, #tpu.memory_space<vmem>>) target_semaphore(%arg29 : memref<!tpu.dma_semaphore, #tpu.memory_space<semaphore_mem>>)
      %barrier3A_20 = arith.constant 0 : index
      tpu.barrier barrier_id(%barrier3A_20)
      %dma_start3A_21 = arith.constant 0 : i32
      %dma_start3A_22 = tpu.memref_slice %arg27[%dma_start3A_21] : memref<36352xf32, #tpu.memory_space<vmem_shared>> -> memref<36352xf32, #tpu.memory_space<vmem_shared>>
      tpu.enqueue_indirect_dma source(%arg15 : memref<6400xf32, #tpu.memory_space<vmem>>) target(%dma_start3A_22 : memref<36352xf32, #tpu.memory_space<vmem_shared>>) offsets(%arg17 : memref<6400xi32, #tpu.memory_space<vmem>>) semaphore(%arg28 : memref<!tpu.dma_semaphore, #tpu.memory_space<semaphore_mem>>) {add = true}
      %dma_start3A_23 = arith.constant 0 : i32
      %dma_start3A_24 = tpu.memref_slice %arg27[%dma_start3A_23] : memref<36352xf32, #tpu.memory_space<vmem_shared>> -> memref<36352xf32, #tpu.memory_space<vmem_shared>>
      tpu.enqueue_indirect_dma source(%arg15 : memref<6400xf32, #tpu.memory_space<vmem>>) target(%dma_start3A_24 : memref<36352xf32, #tpu.memory_space<vmem_shared>>) offsets(%arg18 : memref<6400xi32, #tpu.memory_space<vmem>>) semaphore(%arg28 : memref<!tpu.dma_semaphore, #tpu.memory_space<semaphore_mem>>) {add = true}
      %dma_start3A_25 = arith.constant 0 : i32
      %dma_start3A_26 = tpu.memref_slice %arg27[%dma_start3A_25] : memref<36352xf32, #tpu.memory_space<vmem_shared>> -> memref<36352xf32, #tpu.memory_space<vmem_shared>>
      tpu.enqueue_indirect_dma source(%arg15 : memref<6400xf32, #tpu.memory_space<vmem>>) target(%dma_start3A_26 : memref<36352xf32, #tpu.memory_space<vmem_shared>>) offsets(%arg19 : memref<6400xi32, #tpu.memory_space<vmem>>) semaphore(%arg28 : memref<!tpu.dma_semaphore, #tpu.memory_space<semaphore_mem>>) {add = true}
      %dma_wait3A_27 = arith.constant 0 : i32
      %dma_wait3A_28 = tpu.memref_slice %arg27[%dma_wait3A_27] : memref<36352xf32, #tpu.memory_space<vmem_shared>> -> memref<36352xf32, #tpu.memory_space<vmem_shared>>
      tpu.wait_indirect_dma semaphore(%arg28 : memref<!tpu.dma_semaphore, #tpu.memory_space<semaphore_mem>>) src(%arg15 : memref<6400xf32, #tpu.memory_space<vmem>>) dst(%dma_wait3A_28 : memref<36352xf32, #tpu.memory_space<vmem_shared>>)
      %dma_wait3A_29 = arith.constant 0 : i32
      %dma_wait3A_30 = tpu.memref_slice %arg27[%dma_wait3A_29] : memref<36352xf32, #tpu.memory_space<vmem_shared>> -> memref<36352xf32, #tpu.memory_space<vmem_shared>>
      tpu.wait_indirect_dma semaphore(%arg28 : memref<!tpu.dma_semaphore, #tpu.memory_space<semaphore_mem>>) src(%arg15 : memref<6400xf32, #tpu.memory_space<vmem>>) dst(%dma_wait3A_30 : memref<36352xf32, #tpu.memory_space<vmem_shared>>)
      %dma_wait3A_31 = arith.constant 0 : i32
      %dma_wait3A_32 = tpu.memref_slice %arg27[%dma_wait3A_31] : memref<36352xf32, #tpu.memory_space<vmem_shared>> -> memref<36352xf32, #tpu.memory_space<vmem_shared>>
      tpu.wait_indirect_dma semaphore(%arg28 : memref<!tpu.dma_semaphore, #tpu.memory_space<semaphore_mem>>) src(%arg15 : memref<6400xf32, #tpu.memory_space<vmem>>) dst(%dma_wait3A_32 : memref<36352xf32, #tpu.memory_space<vmem_shared>>)
      %barrier3A_33 = arith.constant 0 : index
      tpu.barrier barrier_id(%barrier3A_33)
      "tpu.region"() ({
        %run_scoped3A = tpu.sem_alloc : memref<!tpu.dma_semaphore, #tpu.memory_space<semaphore_mem>>
        tpu.enqueue_dma source(%arg27 : memref<36352xf32, #tpu.memory_space<vmem_shared>>) target(%arg23 : memref<36352xf32, #tpu.memory_space<vmem>>) target_semaphore(%run_scoped3A : memref<!tpu.dma_semaphore, #tpu.memory_space<semaphore_mem>>)
        tpu.wait_dma2 semaphore(%run_scoped3A : memref<!tpu.dma_semaphore, #tpu.memory_space<semaphore_mem>>) src(%arg27 : memref<36352xf32, #tpu.memory_space<vmem_shared>>) dst(%arg23 : memref<36352xf32, #tpu.memory_space<vmem>>)
        tpu.yield
      }) : () -> ()
      %barrier3A_34 = arith.constant 0 : index
      tpu.barrier barrier_id(%barrier3A_34)
      "tpu.region"() ({
        %run_scoped3A = tpu.sem_alloc : memref<!tpu.dma_semaphore, #tpu.memory_space<semaphore_mem>>
        %dma_start3A_48 = tpu.memref_slice %arg27[%mul3A_2] : memref<36352xf32, #tpu.memory_space<vmem_shared>> -> memref<2272xf32, #tpu.memory_space<vmem_shared>>
        %dma_start3A_49 = tpu.memref_slice %arg27[%mul3A_2] : memref<36352xf32, #tpu.memory_space<vmem_shared>> -> memref<2272xf32, #tpu.memory_space<vmem_shared>>
        tpu.enqueue_dma source(%arg26 : memref<2272xf32, #tpu.memory_space<vmem>>) target(%dma_start3A_49 : memref<2272xf32, #tpu.memory_space<vmem_shared>>) target_semaphore(%run_scoped3A : memref<!tpu.dma_semaphore, #tpu.memory_space<semaphore_mem>>)
        %dma_wait3A_50 = tpu.memref_slice %arg27[%mul3A_2] : memref<36352xf32, #tpu.memory_space<vmem_shared>> -> memref<2272xf32, #tpu.memory_space<vmem_shared>>
        %dma_wait3A_51 = tpu.memref_slice %arg27[%mul3A_2] : memref<36352xf32, #tpu.memory_space<vmem_shared>> -> memref<2272xf32, #tpu.memory_space<vmem_shared>>
        tpu.wait_dma2 semaphore(%run_scoped3A : memref<!tpu.dma_semaphore, #tpu.memory_space<semaphore_mem>>) src(%arg26 : memref<2272xf32, #tpu.memory_space<vmem>>) dst(%dma_wait3A_51 : memref<2272xf32, #tpu.memory_space<vmem_shared>>)
        tpu.yield
      }) : () -> ()
      %dma_wait3A_35 = tpu.memref_slice %arg8[%add3A] : memref<409600xf32, #tpu.memory_space<hbm>> -> memref<6400xf32, #tpu.memory_space<hbm>>
      %dma_wait3A_36 = tpu.memref_slice %arg8[%add3A] : memref<409600xf32, #tpu.memory_space<hbm>> -> memref<6400xf32, #tpu.memory_space<hbm>>
      tpu.wait_dma2 semaphore(%arg29 : memref<!tpu.dma_semaphore, #tpu.memory_space<semaphore_mem>>) src(%dma_wait3A_36 : memref<6400xf32, #tpu.memory_space<hbm>>) dst(%arg24 : memref<6400xf32, #tpu.memory_space<vmem>>)
      %gt3A = arith.constant 0 : i32
      %gt3A_37 = arith.cmpi sgt, %scan3A_16, %gt3A : i32
      %convert_element_type3A = arith.extui %gt3A_37 : i1 to i32
      %cond3A = arith.constant 0 : i32
      %cond3A_38 = arith.constant 0 : i32
      %cond3A_39 = arith.cmpi ne, %convert_element_type3A, %cond3A_38 : i32
      %cond3A_40 = scf.if %cond3A_39 -> (i32) {
        %dma_wait3A_48 = tpu.memref_slice %arg9[%mul3A_0] : memref<409600xf32, #tpu.memory_space<hbm>> -> memref<6400xf32, #tpu.memory_space<hbm>>
        %dma_wait3A_49 = tpu.memref_slice %arg9[%mul3A_0] : memref<409600xf32, #tpu.memory_space<hbm>> -> memref<6400xf32, #tpu.memory_space<hbm>>
        tpu.wait_dma2 semaphore(%arg30 : memref<!tpu.dma_semaphore, #tpu.memory_space<semaphore_mem>>) src(%arg25 : memref<6400xf32, #tpu.memory_space<vmem>>) dst(%dma_wait3A_49 : memref<6400xf32, #tpu.memory_space<hbm>>)
        %cond3A_50 = arith.constant 0 : i32
        scf.yield %cond3A_50 : i32
      } else {
        %cond3A_48 = arith.constant 0 : i32
        scf.yield %cond3A_48 : i32
      }
      %parallel_loop3A = arith.constant 0 : i32
      %parallel_loop3A_41 = arith.constant 400 : i32
      %parallel_loop3A_42 = arith.constant 1 : i32
      scf.for %parallel_loop3A_48 = %parallel_loop3A to %parallel_loop3A_41 step %parallel_loop3A_42  : i32 {
        %parallel_loop3A_49 = arith.constant 16 : i32
        %parallel_loop3A_50 = arith.muli %parallel_loop3A_48, %parallel_loop3A_49 : i32
        %parallel_loop3A_51 = arith.index_cast %parallel_loop3A_50 : i32 to index
        %parallel_loop3A_52 = tpu.vector_load %arg16[%parallel_loop3A_51] {strides = array<i32>} : memref<6400xf32, #tpu.memory_space<vmem>>, vector<16xf32>,
        %parallel_loop3A_53 = arith.index_cast %parallel_loop3A_50 : i32 to index
        %parallel_loop3A_54 = tpu.vector_load %arg17[%parallel_loop3A_53] {strides = array<i32>} : memref<6400xi32, #tpu.memory_space<vmem>>, vector<16xi32>,
        %parallel_loop3A_55 = tpu.vector_load_idx %arg23[%parallel_loop3A_54] : memref<36352xf32, #tpu.memory_space<vmem>>[vector<16xi32>], vector<16xf32>,
        %parallel_loop3A_56 = arith.index_cast %parallel_loop3A_50 : i32 to index
        %parallel_loop3A_57 = tpu.vector_load %arg20[%parallel_loop3A_56] {strides = array<i32>} : memref<6400xf32, #tpu.memory_space<vmem>>, vector<16xf32>,
        %parallel_loop3A_58 = arith.mulf %parallel_loop3A_55, %parallel_loop3A_57 : vector<16xf32>
        %parallel_loop3A_59 = arith.mulf %parallel_loop3A_58, %parallel_loop3A_52 : vector<16xf32>
        %parallel_loop3A_60 = arith.index_cast %parallel_loop3A_50 : i32 to index
        %parallel_loop3A_61 = tpu.vector_load %arg18[%parallel_loop3A_60] {strides = array<i32>} : memref<6400xi32, #tpu.memory_space<vmem>>, vector<16xi32>,
        %parallel_loop3A_62 = tpu.vector_load_idx %arg23[%parallel_loop3A_61] : memref<36352xf32, #tpu.memory_space<vmem>>[vector<16xi32>], vector<16xf32>,
        %parallel_loop3A_63 = arith.index_cast %parallel_loop3A_50 : i32 to index
        %parallel_loop3A_64 = tpu.vector_load %arg21[%parallel_loop3A_63] {strides = array<i32>} : memref<6400xf32, #tpu.memory_space<vmem>>, vector<16xf32>,
        %parallel_loop3A_65 = arith.mulf %parallel_loop3A_62, %parallel_loop3A_64 : vector<16xf32>
        %parallel_loop3A_66 = arith.mulf %parallel_loop3A_65, %parallel_loop3A_52 : vector<16xf32>
        %parallel_loop3A_67 = arith.index_cast %parallel_loop3A_50 : i32 to index
        %parallel_loop3A_68 = tpu.vector_load %arg19[%parallel_loop3A_67] {strides = array<i32>} : memref<6400xi32, #tpu.memory_space<vmem>>, vector<16xi32>,
        %parallel_loop3A_69 = tpu.vector_load_idx %arg23[%parallel_loop3A_68] : memref<36352xf32, #tpu.memory_space<vmem>>[vector<16xi32>], vector<16xf32>,
        %parallel_loop3A_70 = arith.index_cast %parallel_loop3A_50 : i32 to index
        %parallel_loop3A_71 = tpu.vector_load %arg22[%parallel_loop3A_70] {strides = array<i32>} : memref<6400xf32, #tpu.memory_space<vmem>>, vector<16xf32>,
        %parallel_loop3A_72 = arith.mulf %parallel_loop3A_69, %parallel_loop3A_71 : vector<16xf32>
        %parallel_loop3A_73 = arith.mulf %parallel_loop3A_72, %parallel_loop3A_52 : vector<16xf32>
        %parallel_loop3A_74 = arith.addf %parallel_loop3A_59, %parallel_loop3A_66 : vector<16xf32>
        %parallel_loop3A_75 = arith.addf %parallel_loop3A_74, %parallel_loop3A_73 : vector<16xf32>
        %parallel_loop3A_76 = arith.constant 0.000000e+00 : f32
        %parallel_loop3A_77 = vector.broadcast %parallel_loop3A_76 : f32 to vector<16xf32>
        %parallel_loop3A_78 = arith.subf %parallel_loop3A_77, %parallel_loop3A_75 : vector<16xf32>
        %parallel_loop3A_79 = math.exp %parallel_loop3A_78 : vector<16xf32>
        %parallel_loop3A_80 = arith.constant 1.000000e+00 : f32
        %parallel_loop3A_81 = vector.broadcast %parallel_loop3A_80 : f32 to vector<16xf32>
        %parallel_loop3A_82 = arith.subf %parallel_loop3A_81, %parallel_loop3A_79 : vector<16xf32>
        %parallel_loop3A_83 = arith.constant 1.000000e-15 : f32
        %parallel_loop3A_84 = vector.broadcast %parallel_loop3A_83 : f32 to vector<16xf32>
        %parallel_loop3A_85 = arith.addf %parallel_loop3A_82, %parallel_loop3A_84 : vector<16xf32>
        %parallel_loop3A_86 = arith.index_cast %parallel_loop3A_50 : i32 to index
        %parallel_loop3A_87 = tpu.vector_load %arg24[%parallel_loop3A_86] {strides = array<i32>} : memref<6400xf32, #tpu.memory_space<vmem>>, vector<16xf32>,
        %parallel_loop3A_88 = arith.constant 1.000000e-15 : f32
        %parallel_loop3A_89 = vector.broadcast %parallel_loop3A_88 : f32 to vector<16xf32>
        %parallel_loop3A_90 = arith.addf %parallel_loop3A_79, %parallel_loop3A_89 : vector<16xf32>
        %parallel_loop3A_91 = arith.mulf %parallel_loop3A_87, %parallel_loop3A_90 : vector<16xf32>
        %parallel_loop3A_92 = arith.cmpf oge, %parallel_loop3A_85, %parallel_loop3A_91 : vector<16xf32>
        %parallel_loop3A_93 = arith.constant 1.000000e+00 : f32
        %parallel_loop3A_94 = arith.constant 0.000000e+00 : f32
        %parallel_loop3A_95 = vector.broadcast %parallel_loop3A_93 : f32 to vector<16xf32>
        %parallel_loop3A_96 = vector.broadcast %parallel_loop3A_94 : f32 to vector<16xf32>
        %parallel_loop3A_97 = arith.select %parallel_loop3A_92, %parallel_loop3A_95, %parallel_loop3A_96 : vector<16xi1>, vector<16xf32>
        %parallel_loop3A_98 = arith.index_cast %parallel_loop3A_50 : i32 to index
        %parallel_loop3A_99 = tpu.vector_load %arg15[%parallel_loop3A_98] {strides = array<i32>} : memref<6400xf32, #tpu.memory_space<vmem>>, vector<16xf32>,
        %parallel_loop3A_100 = arith.constant 2.000000e-01 : f32
        %parallel_loop3A_101 = vector.broadcast %parallel_loop3A_100 : f32 to vector<16xf32>
        %parallel_loop3A_102 = arith.mulf %parallel_loop3A_101, %parallel_loop3A_97 : vector<16xf32>
        %parallel_loop3A_103 = arith.addf %parallel_loop3A_99, %parallel_loop3A_102 : vector<16xf32>
        %parallel_loop3A_104 = arith.index_cast %parallel_loop3A_50 : i32 to index
        %parallel_loop3A_105 = tpu.vector_load %arg15[%parallel_loop3A_104] {strides = array<i32>} : memref<6400xf32, #tpu.memory_space<vmem>>, vector<16xf32>,
        tpu.vector_store %arg15[%parallel_loop3A_104], %parallel_loop3A_103 {strides = array<i32>} : memref<6400xf32, #tpu.memory_space<vmem>>, vector<16xf32>,
        %parallel_loop3A_106 = arith.subf %parallel_loop3A_52, %parallel_loop3A_97 : vector<16xf32>
        %parallel_loop3A_107 = arith.index_cast %parallel_loop3A_50 : i32 to index
        %parallel_loop3A_108 = tpu.vector_load %arg16[%parallel_loop3A_107] {strides = array<i32>} : memref<6400xf32, #tpu.memory_space<vmem>>, vector<16xf32>,
        tpu.vector_store %arg16[%parallel_loop3A_107], %parallel_loop3A_106 {strides = array<i32>} : memref<6400xf32, #tpu.memory_space<vmem>>, vector<16xf32>,
        %parallel_loop3A_109 = arith.index_cast %parallel_loop3A_50 : i32 to index
        %parallel_loop3A_110 = tpu.vector_load %arg25[%parallel_loop3A_109] {strides = array<i32>} : memref<6400xf32, #tpu.memory_space<vmem>>, vector<16xf32>,
        tpu.vector_store %arg25[%parallel_loop3A_109], %parallel_loop3A_97 {strides = array<i32>} : memref<6400xf32, #tpu.memory_space<vmem>>, vector<16xf32>,
      } {sc.loop_unroll_factor = 8 : i64, sc.parallel_access}
      %mul3A_43 = arith.constant 102400 : i32
      %mul3A_44 = arith.muli %scan3A_16, %mul3A_43 : i32
      %add3A_45 = arith.addi %mul3A_44, %mul3A_0 : i32
      %dma_start3A_46 = tpu.memref_slice %arg9[%add3A_45] : memref<409600xf32, #tpu.memory_space<hbm>> -> memref<6400xf32, #tpu.memory_space<hbm>>
      %dma_start3A_47 = tpu.memref_slice %arg9[%add3A_45] : memref<409600xf32, #tpu.memory_space<hbm>> -> memref<6400xf32, #tpu.memory_space<hbm>>
      tpu.enqueue_dma source(%arg25 : memref<6400xf32, #tpu.memory_space<vmem>>) target(%dma_start3A_47 : memref<6400xf32, #tpu.memory_space<hbm>>) target_semaphore(%arg30 : memref<!tpu.dma_semaphore, #tpu.memory_space<semaphore_mem>>)
    }
    %scan3A_14 = arith.constant 4 : i32
    %dma_wait3A = tpu.memref_slice %arg9[%mul3A_0] : memref<409600xf32, #tpu.memory_space<hbm>> -> memref<6400xf32, #tpu.memory_space<hbm>>
    %dma_wait3A_15 = tpu.memref_slice %arg9[%mul3A_0] : memref<409600xf32, #tpu.memory_space<hbm>> -> memref<6400xf32, #tpu.memory_space<hbm>>
    tpu.wait_dma2 semaphore(%arg30 : memref<!tpu.dma_semaphore, #tpu.memory_space<semaphore_mem>>) src(%arg25 : memref<6400xf32, #tpu.memory_space<vmem>>) dst(%dma_wait3A_15 : memref<6400xf32, #tpu.memory_space<hbm>>)
    "tpu.region"() ({
      %run_scoped3A = tpu.sem_alloc : memref<!tpu.dma_semaphore, #tpu.memory_space<semaphore_mem>>
      %dma_start3A = tpu.memref_slice %arg10[%mul3A_0] : memref<102400xf32, #tpu.memory_space<hbm>> -> memref<6400xf32, #tpu.memory_space<hbm>>
      %dma_start3A_16 = tpu.memref_slice %arg10[%mul3A_0] : memref<102400xf32, #tpu.memory_space<hbm>> -> memref<6400xf32, #tpu.memory_space<hbm>>
      tpu.enqueue_dma source(%arg15 : memref<6400xf32, #tpu.memory_space<vmem>>) target(%dma_start3A_16 : memref<6400xf32, #tpu.memory_space<hbm>>) target_semaphore(%run_scoped3A : memref<!tpu.dma_semaphore, #tpu.memory_space<semaphore_mem>>)
      %dma_wait3A_17 = tpu.memref_slice %arg10[%mul3A_0] : memref<102400xf32, #tpu.memory_space<hbm>> -> memref<6400xf32, #tpu.memory_space<hbm>>
      %dma_wait3A_18 = tpu.memref_slice %arg10[%mul3A_0] : memref<102400xf32, #tpu.memory_space<hbm>> -> memref<6400xf32, #tpu.memory_space<hbm>>
      tpu.wait_dma2 semaphore(%run_scoped3A : memref<!tpu.dma_semaphore, #tpu.memory_space<semaphore_mem>>) src(%arg15 : memref<6400xf32, #tpu.memory_space<vmem>>) dst(%dma_wait3A_18 : memref<6400xf32, #tpu.memory_space<hbm>>)
      tpu.yield
    }) : () -> ()
    "tpu.region"() ({
      %run_scoped3A = tpu.sem_alloc : memref<!tpu.dma_semaphore, #tpu.memory_space<semaphore_mem>>
      %dma_start3A = tpu.memref_slice %arg11[%mul3A_0] : memref<102400xf32, #tpu.memory_space<hbm>> -> memref<6400xf32, #tpu.memory_space<hbm>>
      %dma_start3A_16 = tpu.memref_slice %arg11[%mul3A_0] : memref<102400xf32, #tpu.memory_space<hbm>> -> memref<6400xf32, #tpu.memory_space<hbm>>
      tpu.enqueue_dma source(%arg16 : memref<6400xf32, #tpu.memory_space<vmem>>) target(%dma_start3A_16 : memref<6400xf32, #tpu.memory_space<hbm>>) target_semaphore(%run_scoped3A : memref<!tpu.dma_semaphore, #tpu.memory_space<semaphore_mem>>)
      %dma_wait3A_17 = tpu.memref_slice %arg11[%mul3A_0] : memref<102400xf32, #tpu.memory_space<hbm>> -> memref<6400xf32, #tpu.memory_space<hbm>>
      %dma_wait3A_18 = tpu.memref_slice %arg11[%mul3A_0] : memref<102400xf32, #tpu.memory_space<hbm>> -> memref<6400xf32, #tpu.memory_space<hbm>>
      tpu.wait_dma2 semaphore(%run_scoped3A : memref<!tpu.dma_semaphore, #tpu.memory_space<semaphore_mem>>) src(%arg16 : memref<6400xf32, #tpu.memory_space<vmem>>) dst(%dma_wait3A_18 : memref<6400xf32, #tpu.memory_space<hbm>>)
      tpu.yield
    }) : () -> ()
    return
  }
}

#map = affine_map<(d0, d1) -> (0)>
module attributes {stable_mosaic.version = 14 : i64} {
  func.func @run(%arg0: i32, %arg1: i32, %arg2: memref<102400xf32, #tpu.memory_space<hbm>>, %arg3: memref<102400xf32, #tpu.memory_space<hbm>>, %arg4: memref<102400xi32, #tpu.memory_space<hbm>>, %arg5: memref<102400xi32, #tpu.memory_space<hbm>>, %arg6: memref<102400xi32, #tpu.memory_space<hbm>>, %arg7: memref<102400xf32, #tpu.memory_space<hbm>>, %arg8: memref<102400xf32, #tpu.memory_space<hbm>>, %arg9: memref<102400xf32, #tpu.memory_space<hbm>>, %arg10: memref<614400xf32, #tpu.memory_space<hbm>>, %arg11: memref<614400xf32, #tpu.memory_space<hbm>>, %arg12: memref<102400xf32, #tpu.memory_space<hbm>>, %arg13: memref<102400xf32, #tpu.memory_space<hbm>>, %arg14: memref<6400xf32, #tpu.memory_space<vmem>>, %arg15: memref<6400xf32, #tpu.memory_space<vmem>>, %arg16: memref<6400xi32, #tpu.memory_space<vmem>>, %arg17: memref<6400xi32, #tpu.memory_space<vmem>>, %arg18: memref<6400xi32, #tpu.memory_space<vmem>>, %arg19: memref<6400xf32, #tpu.memory_space<vmem>>, %arg20: memref<6400xf32, #tpu.memory_space<vmem>>, %arg21: memref<6400xf32, #tpu.memory_space<vmem>>, %arg22: memref<36352xf32, #tpu.memory_space<vmem>>, %arg23: memref<6400xf32, #tpu.memory_space<vmem>>, %arg24: memref<6400xf32, #tpu.memory_space<vmem>>, %arg25: memref<2272xf32, #tpu.memory_space<vmem>>, %arg26: memref<36352xf32, #tpu.memory_space<vmem_shared>>, %arg27: memref<!tpu.dma_semaphore, #tpu.memory_space<semaphore_mem>>, %arg28: memref<!tpu.dma_semaphore, #tpu.memory_space<semaphore_mem>>, %arg29: memref<!tpu.dma_semaphore, #tpu.memory_space<semaphore_mem>>) attributes {dimension_semantics = [#tpu.dimension_semantics<core_parallel>, #tpu.dimension_semantics<subcore_parallel>], iteration_bounds = array<i64: 1, 16>, scalar_prefetch = 0 : i64, scratch_operands = 16 : i64, tpu.core_type = #tpu.core_type<sc_vector_subcore>, window_params = [{transform_indices = #map}, {transform_indices = #map}, {transform_indices = #map}, {transform_indices = #map}, {transform_indices = #map}, {transform_indices = #map}, {transform_indices = #map}, {transform_indices = #map}, {transform_indices = #map}, {transform_indices = #map}, {transform_indices = #map}, {transform_indices = #map}]} {
    %mul3A = arith.constant 6400 : i32
    %mul3A_0 = arith.muli %arg1, %mul3A : i32
    %mul3A_1 = arith.constant 2272 : i32
    %mul3A_2 = arith.muli %arg1, %mul3A_1 : i32
    "tpu.region"() ({
      %run_scoped3A = tpu.sem_alloc : memref<!tpu.dma_semaphore, #tpu.memory_space<semaphore_mem>>
      %dma_start3A = tpu.memref_slice %arg2[%mul3A_0] : memref<102400xf32, #tpu.memory_space<hbm>> -> memref<6400xf32, #tpu.memory_space<hbm>>
      %dma_start3A_15 = tpu.memref_slice %arg2[%mul3A_0] : memref<102400xf32, #tpu.memory_space<hbm>> -> memref<6400xf32, #tpu.memory_space<hbm>>
      tpu.enqueue_dma source(%dma_start3A_15 : memref<6400xf32, #tpu.memory_space<hbm>>) target(%arg14 : memref<6400xf32, #tpu.memory_space<vmem>>) target_semaphore(%run_scoped3A : memref<!tpu.dma_semaphore, #tpu.memory_space<semaphore_mem>>)
      %dma_wait3A_16 = tpu.memref_slice %arg2[%mul3A_0] : memref<102400xf32, #tpu.memory_space<hbm>> -> memref<6400xf32, #tpu.memory_space<hbm>>
      %dma_wait3A_17 = tpu.memref_slice %arg2[%mul3A_0] : memref<102400xf32, #tpu.memory_space<hbm>> -> memref<6400xf32, #tpu.memory_space<hbm>>
      tpu.wait_dma2 semaphore(%run_scoped3A : memref<!tpu.dma_semaphore, #tpu.memory_space<semaphore_mem>>) src(%dma_wait3A_17 : memref<6400xf32, #tpu.memory_space<hbm>>) dst(%arg14 : memref<6400xf32, #tpu.memory_space<vmem>>)
      tpu.yield
    }) : () -> ()
    "tpu.region"() ({
      %run_scoped3A = tpu.sem_alloc : memref<!tpu.dma_semaphore, #tpu.memory_space<semaphore_mem>>
      %dma_start3A = tpu.memref_slice %arg3[%mul3A_0] : memref<102400xf32, #tpu.memory_space<hbm>> -> memref<6400xf32, #tpu.memory_space<hbm>>
      %dma_start3A_15 = tpu.memref_slice %arg3[%mul3A_0] : memref<102400xf32, #tpu.memory_space<hbm>> -> memref<6400xf32, #tpu.memory_space<hbm>>
      tpu.enqueue_dma source(%dma_start3A_15 : memref<6400xf32, #tpu.memory_space<hbm>>) target(%arg15 : memref<6400xf32, #tpu.memory_space<vmem>>) target_semaphore(%run_scoped3A : memref<!tpu.dma_semaphore, #tpu.memory_space<semaphore_mem>>)
      %dma_wait3A_16 = tpu.memref_slice %arg3[%mul3A_0] : memref<102400xf32, #tpu.memory_space<hbm>> -> memref<6400xf32, #tpu.memory_space<hbm>>
      %dma_wait3A_17 = tpu.memref_slice %arg3[%mul3A_0] : memref<102400xf32, #tpu.memory_space<hbm>> -> memref<6400xf32, #tpu.memory_space<hbm>>
      tpu.wait_dma2 semaphore(%run_scoped3A : memref<!tpu.dma_semaphore, #tpu.memory_space<semaphore_mem>>) src(%dma_wait3A_17 : memref<6400xf32, #tpu.memory_space<hbm>>) dst(%arg15 : memref<6400xf32, #tpu.memory_space<vmem>>)
      tpu.yield
    }) : () -> ()
    "tpu.region"() ({
      %run_scoped3A = tpu.sem_alloc : memref<!tpu.dma_semaphore, #tpu.memory_space<semaphore_mem>>
      %dma_start3A = tpu.memref_slice %arg4[%mul3A_0] : memref<102400xi32, #tpu.memory_space<hbm>> -> memref<6400xi32, #tpu.memory_space<hbm>>
      %dma_start3A_15 = tpu.memref_slice %arg4[%mul3A_0] : memref<102400xi32, #tpu.memory_space<hbm>> -> memref<6400xi32, #tpu.memory_space<hbm>>
      tpu.enqueue_dma source(%dma_start3A_15 : memref<6400xi32, #tpu.memory_space<hbm>>) target(%arg16 : memref<6400xi32, #tpu.memory_space<vmem>>) target_semaphore(%run_scoped3A : memref<!tpu.dma_semaphore, #tpu.memory_space<semaphore_mem>>)
      %dma_wait3A_16 = tpu.memref_slice %arg4[%mul3A_0] : memref<102400xi32, #tpu.memory_space<hbm>> -> memref<6400xi32, #tpu.memory_space<hbm>>
      %dma_wait3A_17 = tpu.memref_slice %arg4[%mul3A_0] : memref<102400xi32, #tpu.memory_space<hbm>> -> memref<6400xi32, #tpu.memory_space<hbm>>
      tpu.wait_dma2 semaphore(%run_scoped3A : memref<!tpu.dma_semaphore, #tpu.memory_space<semaphore_mem>>) src(%dma_wait3A_17 : memref<6400xi32, #tpu.memory_space<hbm>>) dst(%arg16 : memref<6400xi32, #tpu.memory_space<vmem>>)
      tpu.yield
    }) : () -> ()
    "tpu.region"() ({
      %run_scoped3A = tpu.sem_alloc : memref<!tpu.dma_semaphore, #tpu.memory_space<semaphore_mem>>
      %dma_start3A = tpu.memref_slice %arg5[%mul3A_0] : memref<102400xi32, #tpu.memory_space<hbm>> -> memref<6400xi32, #tpu.memory_space<hbm>>
      %dma_start3A_15 = tpu.memref_slice %arg5[%mul3A_0] : memref<102400xi32, #tpu.memory_space<hbm>> -> memref<6400xi32, #tpu.memory_space<hbm>>
      tpu.enqueue_dma source(%dma_start3A_15 : memref<6400xi32, #tpu.memory_space<hbm>>) target(%arg17 : memref<6400xi32, #tpu.memory_space<vmem>>) target_semaphore(%run_scoped3A : memref<!tpu.dma_semaphore, #tpu.memory_space<semaphore_mem>>)
      %dma_wait3A_16 = tpu.memref_slice %arg5[%mul3A_0] : memref<102400xi32, #tpu.memory_space<hbm>> -> memref<6400xi32, #tpu.memory_space<hbm>>
      %dma_wait3A_17 = tpu.memref_slice %arg5[%mul3A_0] : memref<102400xi32, #tpu.memory_space<hbm>> -> memref<6400xi32, #tpu.memory_space<hbm>>
      tpu.wait_dma2 semaphore(%run_scoped3A : memref<!tpu.dma_semaphore, #tpu.memory_space<semaphore_mem>>) src(%dma_wait3A_17 : memref<6400xi32, #tpu.memory_space<hbm>>) dst(%arg17 : memref<6400xi32, #tpu.memory_space<vmem>>)
      tpu.yield
    }) : () -> ()
    "tpu.region"() ({
      %run_scoped3A = tpu.sem_alloc : memref<!tpu.dma_semaphore, #tpu.memory_space<semaphore_mem>>
      %dma_start3A = tpu.memref_slice %arg6[%mul3A_0] : memref<102400xi32, #tpu.memory_space<hbm>> -> memref<6400xi32, #tpu.memory_space<hbm>>
      %dma_start3A_15 = tpu.memref_slice %arg6[%mul3A_0] : memref<102400xi32, #tpu.memory_space<hbm>> -> memref<6400xi32, #tpu.memory_space<hbm>>
      tpu.enqueue_dma source(%dma_start3A_15 : memref<6400xi32, #tpu.memory_space<hbm>>) target(%arg18 : memref<6400xi32, #tpu.memory_space<vmem>>) target_semaphore(%run_scoped3A : memref<!tpu.dma_semaphore, #tpu.memory_space<semaphore_mem>>)
      %dma_wait3A_16 = tpu.memref_slice %arg6[%mul3A_0] : memref<102400xi32, #tpu.memory_space<hbm>> -> memref<6400xi32, #tpu.memory_space<hbm>>
      %dma_wait3A_17 = tpu.memref_slice %arg6[%mul3A_0] : memref<102400xi32, #tpu.memory_space<hbm>> -> memref<6400xi32, #tpu.memory_space<hbm>>
      tpu.wait_dma2 semaphore(%run_scoped3A : memref<!tpu.dma_semaphore, #tpu.memory_space<semaphore_mem>>) src(%dma_wait3A_17 : memref<6400xi32, #tpu.memory_space<hbm>>) dst(%arg18 : memref<6400xi32, #tpu.memory_space<vmem>>)
      tpu.yield
    }) : () -> ()
    %scan3A = arith.constant 0 : i32
    %scan3A_3 = arith.constant 0 : i32
    %scan3A_4 = arith.constant 142 : i32
    %scan3A_5 = arith.addi %scan3A_3, %scan3A_4 : i32
    %scan3A_6 = arith.constant 1 : i32
    scf.for %scan3A_15 = %scan3A_3 to %scan3A_5 step %scan3A_6  : i32 {
      %broadcast_in_dim3A = arith.constant 0.000000e+00 : f32
      %broadcast_in_dim3A_16 = vector.broadcast %broadcast_in_dim3A : f32 to vector<16xf32>
      %mul3A_17 = arith.constant 16 : i32
      %mul3A_18 = arith.muli %scan3A_15, %mul3A_17 : i32
      %swap3A = arith.index_cast %mul3A_18 : i32 to index
      %swap3A_19 = tpu.vector_load %arg25[%swap3A] {strides = array<i32>} : memref<2272xf32, #tpu.memory_space<vmem>>, vector<16xf32>,
      tpu.vector_store %arg25[%swap3A], %broadcast_in_dim3A_16 {strides = array<i32>} : memref<2272xf32, #tpu.memory_space<vmem>>, vector<16xf32>,
    }
    %scan3A_7 = arith.constant 142 : i32
    "tpu.region"() ({
      %run_scoped3A = tpu.sem_alloc : memref<!tpu.dma_semaphore, #tpu.memory_space<semaphore_mem>>
      %dma_start3A = tpu.memref_slice %arg7[%mul3A_0] : memref<102400xf32, #tpu.memory_space<hbm>> -> memref<6400xf32, #tpu.memory_space<hbm>>
      %dma_start3A_15 = tpu.memref_slice %arg7[%mul3A_0] : memref<102400xf32, #tpu.memory_space<hbm>> -> memref<6400xf32, #tpu.memory_space<hbm>>
      tpu.enqueue_dma source(%dma_start3A_15 : memref<6400xf32, #tpu.memory_space<hbm>>) target(%arg19 : memref<6400xf32, #tpu.memory_space<vmem>>) target_semaphore(%run_scoped3A : memref<!tpu.dma_semaphore, #tpu.memory_space<semaphore_mem>>)
      %dma_wait3A_16 = tpu.memref_slice %arg7[%mul3A_0] : memref<102400xf32, #tpu.memory_space<hbm>> -> memref<6400xf32, #tpu.memory_space<hbm>>
      %dma_wait3A_17 = tpu.memref_slice %arg7[%mul3A_0] : memref<102400xf32, #tpu.memory_space<hbm>> -> memref<6400xf32, #tpu.memory_space<hbm>>
      tpu.wait_dma2 semaphore(%run_scoped3A : memref<!tpu.dma_semaphore, #tpu.memory_space<semaphore_mem>>) src(%dma_wait3A_17 : memref<6400xf32, #tpu.memory_space<hbm>>) dst(%arg19 : memref<6400xf32, #tpu.memory_space<vmem>>)
      tpu.yield
    }) : () -> ()
    "tpu.region"() ({
      %run_scoped3A = tpu.sem_alloc : memref<!tpu.dma_semaphore, #tpu.memory_space<semaphore_mem>>
      %dma_start3A = tpu.memref_slice %arg8[%mul3A_0] : memref<102400xf32, #tpu.memory_space<hbm>> -> memref<6400xf32, #tpu.memory_space<hbm>>
      %dma_start3A_15 = tpu.memref_slice %arg8[%mul3A_0] : memref<102400xf32, #tpu.memory_space<hbm>> -> memref<6400xf32, #tpu.memory_space<hbm>>
      tpu.enqueue_dma source(%dma_start3A_15 : memref<6400xf32, #tpu.memory_space<hbm>>) target(%arg20 : memref<6400xf32, #tpu.memory_space<vmem>>) target_semaphore(%run_scoped3A : memref<!tpu.dma_semaphore, #tpu.memory_space<semaphore_mem>>)
      %dma_wait3A_16 = tpu.memref_slice %arg8[%mul3A_0] : memref<102400xf32, #tpu.memory_space<hbm>> -> memref<6400xf32, #tpu.memory_space<hbm>>
      %dma_wait3A_17 = tpu.memref_slice %arg8[%mul3A_0] : memref<102400xf32, #tpu.memory_space<hbm>> -> memref<6400xf32, #tpu.memory_space<hbm>>
      tpu.wait_dma2 semaphore(%run_scoped3A : memref<!tpu.dma_semaphore, #tpu.memory_space<semaphore_mem>>) src(%dma_wait3A_17 : memref<6400xf32, #tpu.memory_space<hbm>>) dst(%arg20 : memref<6400xf32, #tpu.memory_space<vmem>>)
      tpu.yield
    }) : () -> ()
    "tpu.region"() ({
      %run_scoped3A = tpu.sem_alloc : memref<!tpu.dma_semaphore, #tpu.memory_space<semaphore_mem>>
      %dma_start3A = tpu.memref_slice %arg9[%mul3A_0] : memref<102400xf32, #tpu.memory_space<hbm>> -> memref<6400xf32, #tpu.memory_space<hbm>>
      %dma_start3A_15 = tpu.memref_slice %arg9[%mul3A_0] : memref<102400xf32, #tpu.memory_space<hbm>> -> memref<6400xf32, #tpu.memory_space<hbm>>
      tpu.enqueue_dma source(%dma_start3A_15 : memref<6400xf32, #tpu.memory_space<hbm>>) target(%arg21 : memref<6400xf32, #tpu.memory_space<vmem>>) target_semaphore(%run_scoped3A : memref<!tpu.dma_semaphore, #tpu.memory_space<semaphore_mem>>)
      %dma_wait3A_16 = tpu.memref_slice %arg9[%mul3A_0] : memref<102400xf32, #tpu.memory_space<hbm>> -> memref<6400xf32, #tpu.memory_space<hbm>>
      %dma_wait3A_17 = tpu.memref_slice %arg9[%mul3A_0] : memref<102400xf32, #tpu.memory_space<hbm>> -> memref<6400xf32, #tpu.memory_space<hbm>>
      tpu.wait_dma2 semaphore(%run_scoped3A : memref<!tpu.dma_semaphore, #tpu.memory_space<semaphore_mem>>) src(%dma_wait3A_17 : memref<6400xf32, #tpu.memory_space<hbm>>) dst(%arg21 : memref<6400xf32, #tpu.memory_space<vmem>>)
      tpu.yield
    }) : () -> ()
    "tpu.region"() ({
      %run_scoped3A = tpu.sem_alloc : memref<!tpu.dma_semaphore, #tpu.memory_space<semaphore_mem>>
      %dma_start3A = tpu.memref_slice %arg26[%mul3A_2] : memref<36352xf32, #tpu.memory_space<vmem_shared>> -> memref<2272xf32, #tpu.memory_space<vmem_shared>>
      %dma_start3A_15 = tpu.memref_slice %arg26[%mul3A_2] : memref<36352xf32, #tpu.memory_space<vmem_shared>> -> memref<2272xf32, #tpu.memory_space<vmem_shared>>
      tpu.enqueue_dma source(%arg25 : memref<2272xf32, #tpu.memory_space<vmem>>) target(%dma_start3A_15 : memref<2272xf32, #tpu.memory_space<vmem_shared>>) target_semaphore(%run_scoped3A : memref<!tpu.dma_semaphore, #tpu.memory_space<semaphore_mem>>)
      %dma_wait3A_16 = tpu.memref_slice %arg26[%mul3A_2] : memref<36352xf32, #tpu.memory_space<vmem_shared>> -> memref<2272xf32, #tpu.memory_space<vmem_shared>>
      %dma_wait3A_17 = tpu.memref_slice %arg26[%mul3A_2] : memref<36352xf32, #tpu.memory_space<vmem_shared>> -> memref<2272xf32, #tpu.memory_space<vmem_shared>>
      tpu.wait_dma2 semaphore(%run_scoped3A : memref<!tpu.dma_semaphore, #tpu.memory_space<semaphore_mem>>) src(%arg25 : memref<2272xf32, #tpu.memory_space<vmem>>) dst(%dma_wait3A_17 : memref<2272xf32, #tpu.memory_space<vmem_shared>>)
      tpu.yield
    }) : () -> ()
    %scan3A_8 = arith.constant 0 : i32
    %scan3A_9 = arith.constant 0 : i32
    %scan3A_10 = arith.constant 6 : i32
    %scan3A_11 = arith.addi %scan3A_9, %scan3A_10 : i32
    %scan3A_12 = arith.constant 1 : i32
    scf.for %scan3A_15 = %scan3A_9 to %scan3A_11 step %scan3A_12  : i32 {
      %mul3A_16 = arith.constant 102400 : i32
      %mul3A_17 = arith.muli %scan3A_15, %mul3A_16 : i32
      %add3A = arith.addi %mul3A_17, %mul3A_0 : i32
      %dma_start3A = tpu.memref_slice %arg10[%add3A] : memref<614400xf32, #tpu.memory_space<hbm>> -> memref<6400xf32, #tpu.memory_space<hbm>>
      %dma_start3A_18 = tpu.memref_slice %arg10[%add3A] : memref<614400xf32, #tpu.memory_space<hbm>> -> memref<6400xf32, #tpu.memory_space<hbm>>
      tpu.enqueue_dma source(%dma_start3A_18 : memref<6400xf32, #tpu.memory_space<hbm>>) target(%arg23 : memref<6400xf32, #tpu.memory_space<vmem>>) target_semaphore(%arg28 : memref<!tpu.dma_semaphore, #tpu.memory_space<semaphore_mem>>)
      %barrier3A = arith.constant 0 : index
      tpu.barrier barrier_id(%barrier3A)
      %dma_start3A_19 = arith.constant 0 : i32
      %dma_start3A_20 = tpu.memref_slice %arg26[%dma_start3A_19] : memref<36352xf32, #tpu.memory_space<vmem_shared>> -> memref<36352xf32, #tpu.memory_space<vmem_shared>>
      tpu.enqueue_indirect_dma source(%arg14 : memref<6400xf32, #tpu.memory_space<vmem>>) target(%dma_start3A_20 : memref<36352xf32, #tpu.memory_space<vmem_shared>>) offsets(%arg16 : memref<6400xi32, #tpu.memory_space<vmem>>) semaphore(%arg27 : memref<!tpu.dma_semaphore, #tpu.memory_space<semaphore_mem>>) {add = true}
      %dma_start3A_21 = arith.constant 0 : i32
      %dma_start3A_22 = tpu.memref_slice %arg26[%dma_start3A_21] : memref<36352xf32, #tpu.memory_space<vmem_shared>> -> memref<36352xf32, #tpu.memory_space<vmem_shared>>
      tpu.enqueue_indirect_dma source(%arg14 : memref<6400xf32, #tpu.memory_space<vmem>>) target(%dma_start3A_22 : memref<36352xf32, #tpu.memory_space<vmem_shared>>) offsets(%arg17 : memref<6400xi32, #tpu.memory_space<vmem>>) semaphore(%arg27 : memref<!tpu.dma_semaphore, #tpu.memory_space<semaphore_mem>>) {add = true}
      %dma_start3A_23 = arith.constant 0 : i32
      %dma_start3A_24 = tpu.memref_slice %arg26[%dma_start3A_23] : memref<36352xf32, #tpu.memory_space<vmem_shared>> -> memref<36352xf32, #tpu.memory_space<vmem_shared>>
      tpu.enqueue_indirect_dma source(%arg14 : memref<6400xf32, #tpu.memory_space<vmem>>) target(%dma_start3A_24 : memref<36352xf32, #tpu.memory_space<vmem_shared>>) offsets(%arg18 : memref<6400xi32, #tpu.memory_space<vmem>>) semaphore(%arg27 : memref<!tpu.dma_semaphore, #tpu.memory_space<semaphore_mem>>) {add = true}
      %dma_wait3A_25 = arith.constant 0 : i32
      %dma_wait3A_26 = tpu.memref_slice %arg26[%dma_wait3A_25] : memref<36352xf32, #tpu.memory_space<vmem_shared>> -> memref<36352xf32, #tpu.memory_space<vmem_shared>>
      tpu.wait_indirect_dma semaphore(%arg27 : memref<!tpu.dma_semaphore, #tpu.memory_space<semaphore_mem>>) src(%arg14 : memref<6400xf32, #tpu.memory_space<vmem>>) dst(%dma_wait3A_26 : memref<36352xf32, #tpu.memory_space<vmem_shared>>)
      %dma_wait3A_27 = arith.constant 0 : i32
      %dma_wait3A_28 = tpu.memref_slice %arg26[%dma_wait3A_27] : memref<36352xf32, #tpu.memory_space<vmem_shared>> -> memref<36352xf32, #tpu.memory_space<vmem_shared>>
      tpu.wait_indirect_dma semaphore(%arg27 : memref<!tpu.dma_semaphore, #tpu.memory_space<semaphore_mem>>) src(%arg14 : memref<6400xf32, #tpu.memory_space<vmem>>) dst(%dma_wait3A_28 : memref<36352xf32, #tpu.memory_space<vmem_shared>>)
      %dma_wait3A_29 = arith.constant 0 : i32
      %dma_wait3A_30 = tpu.memref_slice %arg26[%dma_wait3A_29] : memref<36352xf32, #tpu.memory_space<vmem_shared>> -> memref<36352xf32, #tpu.memory_space<vmem_shared>>
      tpu.wait_indirect_dma semaphore(%arg27 : memref<!tpu.dma_semaphore, #tpu.memory_space<semaphore_mem>>) src(%arg14 : memref<6400xf32, #tpu.memory_space<vmem>>) dst(%dma_wait3A_30 : memref<36352xf32, #tpu.memory_space<vmem_shared>>)
      %barrier3A_31 = arith.constant 0 : index
      tpu.barrier barrier_id(%barrier3A_31)
      "tpu.region"() ({
        %run_scoped3A = tpu.sem_alloc : memref<!tpu.dma_semaphore, #tpu.memory_space<semaphore_mem>>
        tpu.enqueue_dma source(%arg26 : memref<36352xf32, #tpu.memory_space<vmem_shared>>) target(%arg22 : memref<36352xf32, #tpu.memory_space<vmem>>) target_semaphore(%run_scoped3A : memref<!tpu.dma_semaphore, #tpu.memory_space<semaphore_mem>>)
        tpu.wait_dma2 semaphore(%run_scoped3A : memref<!tpu.dma_semaphore, #tpu.memory_space<semaphore_mem>>) src(%arg26 : memref<36352xf32, #tpu.memory_space<vmem_shared>>) dst(%arg22 : memref<36352xf32, #tpu.memory_space<vmem>>)
        tpu.yield
      }) : () -> ()
      %barrier3A_32 = arith.constant 0 : index
      tpu.barrier barrier_id(%barrier3A_32)
      "tpu.region"() ({
        %run_scoped3A = tpu.sem_alloc : memref<!tpu.dma_semaphore, #tpu.memory_space<semaphore_mem>>
        %dma_start3A_46 = tpu.memref_slice %arg26[%mul3A_2] : memref<36352xf32, #tpu.memory_space<vmem_shared>> -> memref<2272xf32, #tpu.memory_space<vmem_shared>>
        %dma_start3A_47 = tpu.memref_slice %arg26[%mul3A_2] : memref<36352xf32, #tpu.memory_space<vmem_shared>> -> memref<2272xf32, #tpu.memory_space<vmem_shared>>
        tpu.enqueue_dma source(%arg25 : memref<2272xf32, #tpu.memory_space<vmem>>) target(%dma_start3A_47 : memref<2272xf32, #tpu.memory_space<vmem_shared>>) target_semaphore(%run_scoped3A : memref<!tpu.dma_semaphore, #tpu.memory_space<semaphore_mem>>)
        %dma_wait3A_48 = tpu.memref_slice %arg26[%mul3A_2] : memref<36352xf32, #tpu.memory_space<vmem_shared>> -> memref<2272xf32, #tpu.memory_space<vmem_shared>>
        %dma_wait3A_49 = tpu.memref_slice %arg26[%mul3A_2] : memref<36352xf32, #tpu.memory_space<vmem_shared>> -> memref<2272xf32, #tpu.memory_space<vmem_shared>>
        tpu.wait_dma2 semaphore(%run_scoped3A : memref<!tpu.dma_semaphore, #tpu.memory_space<semaphore_mem>>) src(%arg25 : memref<2272xf32, #tpu.memory_space<vmem>>) dst(%dma_wait3A_49 : memref<2272xf32, #tpu.memory_space<vmem_shared>>)
        tpu.yield
      }) : () -> ()
      %dma_wait3A_33 = tpu.memref_slice %arg10[%add3A] : memref<614400xf32, #tpu.memory_space<hbm>> -> memref<6400xf32, #tpu.memory_space<hbm>>
      %dma_wait3A_34 = tpu.memref_slice %arg10[%add3A] : memref<614400xf32, #tpu.memory_space<hbm>> -> memref<6400xf32, #tpu.memory_space<hbm>>
      tpu.wait_dma2 semaphore(%arg28 : memref<!tpu.dma_semaphore, #tpu.memory_space<semaphore_mem>>) src(%dma_wait3A_34 : memref<6400xf32, #tpu.memory_space<hbm>>) dst(%arg23 : memref<6400xf32, #tpu.memory_space<vmem>>)
      %gt3A = arith.constant 0 : i32
      %gt3A_35 = arith.cmpi sgt, %scan3A_15, %gt3A : i32
      %convert_element_type3A = arith.extui %gt3A_35 : i1 to i32
      %cond3A = arith.constant 0 : i32
      %cond3A_36 = arith.constant 0 : i32
      %cond3A_37 = arith.cmpi ne, %convert_element_type3A, %cond3A_36 : i32
      %cond3A_38 = scf.if %cond3A_37 -> (i32) {
        %dma_wait3A_46 = tpu.memref_slice %arg11[%mul3A_0] : memref<614400xf32, #tpu.memory_space<hbm>> -> memref<6400xf32, #tpu.memory_space<hbm>>
        %dma_wait3A_47 = tpu.memref_slice %arg11[%mul3A_0] : memref<614400xf32, #tpu.memory_space<hbm>> -> memref<6400xf32, #tpu.memory_space<hbm>>
        tpu.wait_dma2 semaphore(%arg29 : memref<!tpu.dma_semaphore, #tpu.memory_space<semaphore_mem>>) src(%arg24 : memref<6400xf32, #tpu.memory_space<vmem>>) dst(%dma_wait3A_47 : memref<6400xf32, #tpu.memory_space<hbm>>)
        %cond3A_48 = arith.constant 0 : i32
        scf.yield %cond3A_48 : i32
      } else {
        %cond3A_46 = arith.constant 0 : i32
        scf.yield %cond3A_46 : i32
      }
      %parallel_loop3A = arith.constant 0 : i32
      %parallel_loop3A_39 = arith.constant 400 : i32
      %parallel_loop3A_40 = arith.constant 1 : i32
      scf.for %parallel_loop3A_46 = %parallel_loop3A to %parallel_loop3A_39 step %parallel_loop3A_40  : i32 {
        %parallel_loop3A_47 = arith.constant 16 : i32
        %parallel_loop3A_48 = arith.muli %parallel_loop3A_46, %parallel_loop3A_47 : i32
        %parallel_loop3A_49 = arith.index_cast %parallel_loop3A_48 : i32 to index
        %parallel_loop3A_50 = tpu.vector_load %arg15[%parallel_loop3A_49] {strides = array<i32>} : memref<6400xf32, #tpu.memory_space<vmem>>, vector<16xf32>,
        %parallel_loop3A_51 = arith.index_cast %parallel_loop3A_48 : i32 to index
        %parallel_loop3A_52 = tpu.vector_load %arg16[%parallel_loop3A_51] {strides = array<i32>} : memref<6400xi32, #tpu.memory_space<vmem>>, vector<16xi32>,
        %parallel_loop3A_53 = tpu.vector_load_idx %arg22[%parallel_loop3A_52] : memref<36352xf32, #tpu.memory_space<vmem>>[vector<16xi32>], vector<16xf32>,
        %parallel_loop3A_54 = arith.index_cast %parallel_loop3A_48 : i32 to index
        %parallel_loop3A_55 = tpu.vector_load %arg19[%parallel_loop3A_54] {strides = array<i32>} : memref<6400xf32, #tpu.memory_space<vmem>>, vector<16xf32>,
        %parallel_loop3A_56 = arith.mulf %parallel_loop3A_53, %parallel_loop3A_55 : vector<16xf32>
        %parallel_loop3A_57 = arith.mulf %parallel_loop3A_56, %parallel_loop3A_50 : vector<16xf32>
        %parallel_loop3A_58 = arith.index_cast %parallel_loop3A_48 : i32 to index
        %parallel_loop3A_59 = tpu.vector_load %arg17[%parallel_loop3A_58] {strides = array<i32>} : memref<6400xi32, #tpu.memory_space<vmem>>, vector<16xi32>,
        %parallel_loop3A_60 = tpu.vector_load_idx %arg22[%parallel_loop3A_59] : memref<36352xf32, #tpu.memory_space<vmem>>[vector<16xi32>], vector<16xf32>,
        %parallel_loop3A_61 = arith.index_cast %parallel_loop3A_48 : i32 to index
        %parallel_loop3A_62 = tpu.vector_load %arg20[%parallel_loop3A_61] {strides = array<i32>} : memref<6400xf32, #tpu.memory_space<vmem>>, vector<16xf32>,
        %parallel_loop3A_63 = arith.mulf %parallel_loop3A_60, %parallel_loop3A_62 : vector<16xf32>
        %parallel_loop3A_64 = arith.mulf %parallel_loop3A_63, %parallel_loop3A_50 : vector<16xf32>
        %parallel_loop3A_65 = arith.index_cast %parallel_loop3A_48 : i32 to index
        %parallel_loop3A_66 = tpu.vector_load %arg18[%parallel_loop3A_65] {strides = array<i32>} : memref<6400xi32, #tpu.memory_space<vmem>>, vector<16xi32>,
        %parallel_loop3A_67 = tpu.vector_load_idx %arg22[%parallel_loop3A_66] : memref<36352xf32, #tpu.memory_space<vmem>>[vector<16xi32>], vector<16xf32>,
        %parallel_loop3A_68 = arith.index_cast %parallel_loop3A_48 : i32 to index
        %parallel_loop3A_69 = tpu.vector_load %arg21[%parallel_loop3A_68] {strides = array<i32>} : memref<6400xf32, #tpu.memory_space<vmem>>, vector<16xf32>,
        %parallel_loop3A_70 = arith.mulf %parallel_loop3A_67, %parallel_loop3A_69 : vector<16xf32>
        %parallel_loop3A_71 = arith.mulf %parallel_loop3A_70, %parallel_loop3A_50 : vector<16xf32>
        %parallel_loop3A_72 = arith.addf %parallel_loop3A_57, %parallel_loop3A_64 : vector<16xf32>
        %parallel_loop3A_73 = arith.addf %parallel_loop3A_72, %parallel_loop3A_71 : vector<16xf32>
        %parallel_loop3A_74 = arith.constant 0.000000e+00 : f32
        %parallel_loop3A_75 = vector.broadcast %parallel_loop3A_74 : f32 to vector<16xf32>
        %parallel_loop3A_76 = arith.subf %parallel_loop3A_75, %parallel_loop3A_73 : vector<16xf32>
        %parallel_loop3A_77 = math.exp %parallel_loop3A_76 : vector<16xf32>
        %parallel_loop3A_78 = arith.constant 1.000000e+00 : f32
        %parallel_loop3A_79 = vector.broadcast %parallel_loop3A_78 : f32 to vector<16xf32>
        %parallel_loop3A_80 = arith.subf %parallel_loop3A_79, %parallel_loop3A_77 : vector<16xf32>
        %parallel_loop3A_81 = arith.constant 1.000000e-15 : f32
        %parallel_loop3A_82 = vector.broadcast %parallel_loop3A_81 : f32 to vector<16xf32>
        %parallel_loop3A_83 = arith.addf %parallel_loop3A_80, %parallel_loop3A_82 : vector<16xf32>
        %parallel_loop3A_84 = arith.index_cast %parallel_loop3A_48 : i32 to index
        %parallel_loop3A_85 = tpu.vector_load %arg23[%parallel_loop3A_84] {strides = array<i32>} : memref<6400xf32, #tpu.memory_space<vmem>>, vector<16xf32>,
        %parallel_loop3A_86 = arith.constant 1.000000e-15 : f32
        %parallel_loop3A_87 = vector.broadcast %parallel_loop3A_86 : f32 to vector<16xf32>
        %parallel_loop3A_88 = arith.addf %parallel_loop3A_77, %parallel_loop3A_87 : vector<16xf32>
        %parallel_loop3A_89 = arith.mulf %parallel_loop3A_85, %parallel_loop3A_88 : vector<16xf32>
        %parallel_loop3A_90 = arith.cmpf oge, %parallel_loop3A_83, %parallel_loop3A_89 : vector<16xf32>
        %parallel_loop3A_91 = arith.constant 1.000000e+00 : f32
        %parallel_loop3A_92 = arith.constant 0.000000e+00 : f32
        %parallel_loop3A_93 = vector.broadcast %parallel_loop3A_91 : f32 to vector<16xf32>
        %parallel_loop3A_94 = vector.broadcast %parallel_loop3A_92 : f32 to vector<16xf32>
        %parallel_loop3A_95 = arith.select %parallel_loop3A_90, %parallel_loop3A_93, %parallel_loop3A_94 : vector<16xi1>, vector<16xf32>
        %parallel_loop3A_96 = arith.index_cast %parallel_loop3A_48 : i32 to index
        %parallel_loop3A_97 = tpu.vector_load %arg14[%parallel_loop3A_96] {strides = array<i32>} : memref<6400xf32, #tpu.memory_space<vmem>>, vector<16xf32>,
        %parallel_loop3A_98 = arith.constant 2.000000e-01 : f32
        %parallel_loop3A_99 = vector.broadcast %parallel_loop3A_98 : f32 to vector<16xf32>
        %parallel_loop3A_100 = arith.mulf %parallel_loop3A_99, %parallel_loop3A_95 : vector<16xf32>
        %parallel_loop3A_101 = arith.addf %parallel_loop3A_97, %parallel_loop3A_100 : vector<16xf32>
        %parallel_loop3A_102 = arith.index_cast %parallel_loop3A_48 : i32 to index
        %parallel_loop3A_103 = tpu.vector_load %arg14[%parallel_loop3A_102] {strides = array<i32>} : memref<6400xf32, #tpu.memory_space<vmem>>, vector<16xf32>,
        tpu.vector_store %arg14[%parallel_loop3A_102], %parallel_loop3A_101 {strides = array<i32>} : memref<6400xf32, #tpu.memory_space<vmem>>, vector<16xf32>,
        %parallel_loop3A_104 = arith.subf %parallel_loop3A_50, %parallel_loop3A_95 : vector<16xf32>
        %parallel_loop3A_105 = arith.index_cast %parallel_loop3A_48 : i32 to index
        %parallel_loop3A_106 = tpu.vector_load %arg15[%parallel_loop3A_105] {strides = array<i32>} : memref<6400xf32, #tpu.memory_space<vmem>>, vector<16xf32>,
        tpu.vector_store %arg15[%parallel_loop3A_105], %parallel_loop3A_104 {strides = array<i32>} : memref<6400xf32, #tpu.memory_space<vmem>>, vector<16xf32>,
        %parallel_loop3A_107 = arith.index_cast %parallel_loop3A_48 : i32 to index
        %parallel_loop3A_108 = tpu.vector_load %arg24[%parallel_loop3A_107] {strides = array<i32>} : memref<6400xf32, #tpu.memory_space<vmem>>, vector<16xf32>,
        tpu.vector_store %arg24[%parallel_loop3A_107], %parallel_loop3A_95 {strides = array<i32>} : memref<6400xf32, #tpu.memory_space<vmem>>, vector<16xf32>,
      } {sc.loop_unroll_factor = 8 : i64, sc.parallel_access}
      %mul3A_41 = arith.constant 102400 : i32
      %mul3A_42 = arith.muli %scan3A_15, %mul3A_41 : i32
      %add3A_43 = arith.addi %mul3A_42, %mul3A_0 : i32
      %dma_start3A_44 = tpu.memref_slice %arg11[%add3A_43] : memref<614400xf32, #tpu.memory_space<hbm>> -> memref<6400xf32, #tpu.memory_space<hbm>>
      %dma_start3A_45 = tpu.memref_slice %arg11[%add3A_43] : memref<614400xf32, #tpu.memory_space<hbm>> -> memref<6400xf32, #tpu.memory_space<hbm>>
      tpu.enqueue_dma source(%arg24 : memref<6400xf32, #tpu.memory_space<vmem>>) target(%dma_start3A_45 : memref<6400xf32, #tpu.memory_space<hbm>>) target_semaphore(%arg29 : memref<!tpu.dma_semaphore, #tpu.memory_space<semaphore_mem>>)
    }
    %scan3A_13 = arith.constant 6 : i32
    %dma_wait3A = tpu.memref_slice %arg11[%mul3A_0] : memref<614400xf32, #tpu.memory_space<hbm>> -> memref<6400xf32, #tpu.memory_space<hbm>>
    %dma_wait3A_14 = tpu.memref_slice %arg11[%mul3A_0] : memref<614400xf32, #tpu.memory_space<hbm>> -> memref<6400xf32, #tpu.memory_space<hbm>>
    tpu.wait_dma2 semaphore(%arg29 : memref<!tpu.dma_semaphore, #tpu.memory_space<semaphore_mem>>) src(%arg24 : memref<6400xf32, #tpu.memory_space<vmem>>) dst(%dma_wait3A_14 : memref<6400xf32, #tpu.memory_space<hbm>>)
    "tpu.region"() ({
      %run_scoped3A = tpu.sem_alloc : memref<!tpu.dma_semaphore, #tpu.memory_space<semaphore_mem>>
      %dma_start3A = tpu.memref_slice %arg12[%mul3A_0] : memref<102400xf32, #tpu.memory_space<hbm>> -> memref<6400xf32, #tpu.memory_space<hbm>>
      %dma_start3A_15 = tpu.memref_slice %arg12[%mul3A_0] : memref<102400xf32, #tpu.memory_space<hbm>> -> memref<6400xf32, #tpu.memory_space<hbm>>
      tpu.enqueue_dma source(%arg14 : memref<6400xf32, #tpu.memory_space<vmem>>) target(%dma_start3A_15 : memref<6400xf32, #tpu.memory_space<hbm>>) target_semaphore(%run_scoped3A : memref<!tpu.dma_semaphore, #tpu.memory_space<semaphore_mem>>)
      %dma_wait3A_16 = tpu.memref_slice %arg12[%mul3A_0] : memref<102400xf32, #tpu.memory_space<hbm>> -> memref<6400xf32, #tpu.memory_space<hbm>>
      %dma_wait3A_17 = tpu.memref_slice %arg12[%mul3A_0] : memref<102400xf32, #tpu.memory_space<hbm>> -> memref<6400xf32, #tpu.memory_space<hbm>>
      tpu.wait_dma2 semaphore(%run_scoped3A : memref<!tpu.dma_semaphore, #tpu.memory_space<semaphore_mem>>) src(%arg14 : memref<6400xf32, #tpu.memory_space<vmem>>) dst(%dma_wait3A_17 : memref<6400xf32, #tpu.memory_space<hbm>>)
      tpu.yield
    }) : () -> ()
    "tpu.region"() ({
      %run_scoped3A = tpu.sem_alloc : memref<!tpu.dma_semaphore, #tpu.memory_space<semaphore_mem>>
      %dma_start3A = tpu.memref_slice %arg13[%mul3A_0] : memref<102400xf32, #tpu.memory_space<hbm>> -> memref<6400xf32, #tpu.memory_space<hbm>>
      %dma_start3A_15 = tpu.memref_slice %arg13[%mul3A_0] : memref<102400xf32, #tpu.memory_space<hbm>> -> memref<6400xf32, #tpu.memory_space<hbm>>
      tpu.enqueue_dma source(%arg15 : memref<6400xf32, #tpu.memory_space<vmem>>) target(%dma_start3A_15 : memref<6400xf32, #tpu.memory_space<hbm>>) target_semaphore(%run_scoped3A : memref<!tpu.dma_semaphore, #tpu.memory_space<semaphore_mem>>)
      %dma_wait3A_16 = tpu.memref_slice %arg13[%mul3A_0] : memref<102400xf32, #tpu.memory_space<hbm>> -> memref<6400xf32, #tpu.memory_space<hbm>>
      %dma_wait3A_17 = tpu.memref_slice %arg13[%mul3A_0] : memref<102400xf32, #tpu.memory_space<hbm>> -> memref<6400xf32, #tpu.memory_space<hbm>>
      tpu.wait_dma2 semaphore(%run_scoped3A : memref<!tpu.dma_semaphore, #tpu.memory_space<semaphore_mem>>) src(%arg15 : memref<6400xf32, #tpu.memory_space<vmem>>) dst(%dma_wait3A_17 : memref<6400xf32, #tpu.memory_space<hbm>>)
      tpu.yield
    }) : () -> ()
    return
  }
}

</mosaic_0001>

<sc_bundles>
// kernel: kernel.4.cloned.1.call-start
scs
__scs_entry_jumppad:
0x0: {  	(pc) =	sbr.rel $0x88, $3  }
0x1: {  	(tag) =	ssettag $0x0;
	lr =	simm.s32 $0x1  }
0x2: {  	[smem:$0x3F97] =	sst lr;
	_ =	strace $0xD0000000  }
0x3: {  	_ = 	snop  }
0x4: {  	_ = 	snop  }
0x5: {  	_ = 	snop  }
0x6: {  	_ = 	snop  }
0x7: {  	_ = 	snop  }
__scs_overlays_trampoline_lowered:
0x8: {  	[smem:$0x3FA6] =	sst s0  }
0x9: {  	[smem:$0x3FA7] =	sst s1  }
0xa: {  	[smem:$0x3FA8] =	sst s2  }
0xb: {  	[smem:$0x3FA9] =	sst s3  }
0xc: {  	[smem:$0x3FAA] =	sst s4  }
0xd: {  	[smem:$0x3FAB] =	sst s5  }
0xe: {  	[smem:$0x3FAC] =	sst s6  }
0xf: {  	[smem:$0x3FAD] =	sst s7  }
0x10: {  	[smem:$0x3FAE] =	sst s8  }
0x11: {  	[smem:$0x3FAF] =	sst s9;
	s0 =	simm.s32 @!p0 $0x0  }
0x12: {  	s1 =	sld [smem:$0x3F95];
	s0 =	simm.s32 @p0 $0x1  }
0x13: {  	[smem:$0x3FB0] =	sst s0;
	s0 =	simm.s32 @!p1 $0x0  }
0x14: {  	s2 =	sld [smem:$0x3F94];
	s0 =	simm.s32 @p1 $0x1  }
0x15: {  	[smem:$0x3FB1] =	sst s0;
	s0 =	simm.s32 @!p2 $0x0  }
0x16: {  	s3 =	sld [smem:$0x3FDB];
	s0 =	simm.s32 @p2 $0x1  }
0x17: {  	s4 =	simm.s32 $0x1BF5;
	[smem:$0x3FB3] =	sst s0  }
0x18: {  	s0 =	sld [smem:$0x3F96];
	_ =	swait.ge [sflag:s4], $0x0  }
0x19: {  	s7 =	sld [smem:$0x3F97]  }
0x1a: {  	s8 =	sadd.s32 $0xFFFFE003, lr  }
0x1b: {  	s9 =	sadd.s32 $0xFFFFFEF7, lr;
	s5 =	simm.s32 $0xFFFFFFFF;
	p2 =	slt.u32 s8, $0xFFFFF086  }
0x1c: {  	p1 =	slt.u32 s9, $0xF7A;
	s5 =	simm.s32 @!p2 $0x0  }
0x1d: {  	s5 =	simm.s32 @p1 $0x1;
	p0 =	seq.s32 s7, s2  }
0x1e: {  	s7 =	smul.u32 @!p0 $0xF7A, s2;
	p2 =	seq.s32 @!p0 s5, $0x0  }
0x1f: {  	s9 =	smul.u32 $0xF7A, s1;
	s8 =	simm.s32 @!p0 $0x1BF5;
	p2 =	por !p2, p0  }
0x20: {  	[sflag:s8] =	ssyncset.s32 @!p0 $0xFFFFF086;
	s6 =	sadd.s32 @!p0 s3, s7;
	s7 =	simm.s32 @!p0 $0x108  }
0x21: {  	s3 =	sadd.s32 s3, s9;
	s6 =	sadd.s32 @!p0 $0x88, s6;
	s7 =	simm.s32 @p2 $0x1082  }
0x22: {  	[simem:s7], [sflag:s8] =	dma.local @!p0 [hbm:s6], $0xF7A  }
0x23: {  	s9 =	sor.u32 $0xD0000000, s2;
	s6 =	simm.s32 $0x108;
	_ =	swait.ge @!p0 [sflag:s8], $0x0  }
0x24: {  	s3 =	sadd.s32 $0x88, s3;
	s6 =	simm.s32 @!p1 $0x1082;
	[sflag:s4] =	ssyncset.s32 $0xFFFFF086  }
0x25: {  	[simem:s6], [sflag:s4] =	dma.local [hbm:s3], $0xF7A  }
0x26: {  	[smem:$0x3F97] =	sst s1;
	(tag) =	ssettag s2;
	_ =	strace s9  }
0x27: {  	s1 =	sld [smem:$0x3FA7]  }
0x28: {  	s2 =	sld [smem:$0x3FA8]  }
0x29: {  	s4 =	sld [smem:$0x3FAA]  }
0x2a: {  	p0 =	seq.s32 s5, $0x0;
	s5 =	sld [smem:$0x3FAB]  }
0x2b: {  	s6 =	sld [smem:$0x3FAC]  }
0x2c: {  	s7 =	sld [smem:$0x3FAD]  }
0x2d: {  	s3 =	simm.s32 $0x108;
	s8 =	sld [smem:$0x3FAE]  }
0x2e: {  	s3 =	simm.s32 @!p0 $0x1082;
	s9 =	sld [smem:$0x3FAF]  }
0x2f: {  	lr =	sadd.s32 s0, s3;
	s0 =	sld [smem:$0x3FA6]  }
0x30: {  	s3 =	sld [smem:$0x3FA9]  }
0x31: {  	[smem:$0x3FB2] =	sst s10  }
0x32: {  	s10 =	sld [smem:$0x3FB0];
	_ =	sdelay $0x3  }
0x33: {  	p0 =	seq.s32 s10, $0x1;
	s10 =	sld [smem:$0x3FB2];
	_ =	sdelay $0x3  }
0x34: {  	[smem:$0x3FB2] =	sst s10  }
0x35: {  	s10 =	sld [smem:$0x3FB1];
	_ =	sdelay $0x3  }
0x36: {  	p1 =	seq.s32 s10, $0x1;
	s10 =	sld [smem:$0x3FB2];
	_ =	sdelay $0x3  }
0x37: {  	[smem:$0x3FB2] =	sst s10  }
0x38: {  	s10 =	sld [smem:$0x3FB3]  }
0x39: {  	_ = 	snop;
	(pc) =	sbr.ind lr, $3  }
0x3a: {  	_ = 	snop  }
0x3b: {  	_ = 	snop  }
0x3c: {  	p2 =	seq.s32 s10, $0x1;
	s10 =	sld [smem:$0x3FB2]  }
0x3d: {  	_ =	shalt  }
0x3e: {  	_ =	shalt  }
0x3f: {  	_ =	shalt  }
0x40: {  	_ =	shalt  }
0x41: {  	_ =	shalt  }
0x42: {  	_ =	shalt  }
0x43: {  	_ =	shalt  }
0x44: {  	_ =	shalt  }
0x45: {  	_ =	shalt  }
0x46: {  	_ =	shalt  }
0x47: {  	_ =	shalt  }
0x48: {  	_ =	shalt  }
0x49: {  	_ =	shalt  }
0x4a: {  	_ =	shalt  }
0x4b: {  	_ =	shalt  }
0x4c: {  	_ =	shalt  }
0x4d: {  	_ =	shalt  }
0x4e: {  	_ =	shalt  }
0x4f: {  	_ =	shalt  }
0x50: {  	_ =	shalt  }
0x51: {  	_ =	shalt  }
0x52: {  	_ =	shalt  }
0x53: {  	_ =	shalt  }
0x54: {  	_ =	shalt  }
0x55: {  	_ =	shalt  }
0x56: {  	_ =	shalt  }
0x57: {  	_ =	shalt  }
0x58: {  	_ =	shalt  }
0x59: {  	_ =	shalt  }
0x5a: {  	_ =	shalt  }
0x5b: {  	_ =	shalt  }
0x5c: {  	_ =	shalt  }
0x5d: {  	_ =	shalt  }
0x5e: {  	_ =	shalt  }
0x5f: {  	_ =	shalt  }
0x60: {  	_ =	shalt  }
0x61: {  	_ =	shalt  }
0x62: {  	_ =	shalt  }
0x63: {  	_ =	shalt  }
0x64: {  	_ =	shalt  }
0x65: {  	_ =	shalt  }
0x66: {  	_ =	shalt  }
0x67: {  	_ =	shalt  }
0x68: {  	_ =	shalt  }
0x69: {  	_ =	shalt  }
0x6a: {  	_ =	shalt  }
0x6b: {  	_ =	shalt  }
0x6c: {  	_ =	shalt  }
0x6d: {  	_ =	shalt  }
0x6e: {  	_ =	shalt  }
0x6f: {  	_ =	shalt  }
0x70: {  	_ =	shalt  }
0x71: {  	_ =	shalt  }
0x72: {  	_ =	shalt  }
0x73: {  	_ =	shalt  }
0x74: {  	_ =	shalt  }
0x75: {  	_ =	shalt  }
0x76: {  	_ =	shalt  }
0x77: {  	_ =	shalt  }
0x78: {  	_ =	shalt  }
0x79: {  	_ =	shalt  }
0x7a: {  	_ =	shalt  }
0x7b: {  	_ =	shalt  }
0x7c: {  	_ =	shalt  }
0x7d: {  	_ =	shalt  }
0x7e: {  	_ =	shalt  }
0x7f: {  	_ =	shalt  }
0x80: {  	_ =	shalt  }
0x81: {  	_ =	shalt  }
0x82: {  	_ =	shalt  }
0x83: {  	_ =	shalt  }
0x84: {  	_ =	shalt  }
0x85: {  	_ =	shalt  }
0x86: {  	_ =	shalt  }
0x87: {  	_ =	shalt  }
.Lfunc_end0:
.L_simem_size_0:
called_computation_lowered:
.L_overlay_start_0:
0x88: {  	s0 =	sld [smem:$0x3FD9]  }
0x89: {  	s1 =	sld [smem:$0x3FFE];
	_ =	sdelay $0x3  }
0x8a: {  	s0 =	sadd.s32 s1, s0  }
0x8b: {  	[smem:$0x3FBE] =	sst s0  }
0x8c: {  	_ = 	snop  }
0x8d: {  	(tm) =	ssettm $0x1  }
0x8e: {  	s15 =	sld [smem:$0x3FFB];
	_ =	sdelay $0x3  }
0x8f: {  	_ =	strace s15  }
0x90: {  	s0 =	sld [smem:$0x3FFC];
	_ =	sdelay $0x3  }
0x91: {  	_ =	strace s0  }
0x92: {  	s0 =	sld [smem:$0x3FFD];
	_ =	sdelay $0x3  }
0x93: {  	_ =	strace s0  }
0x94: {  	_ =	strace $0x8FFFFFFF  }
0x95: {  	s16 =	sld [smem:$0x3FDB];
	_ =	sdelay $0x1  }
0x96: {  	s17 =	simm.s32 $_scs_section_size  }
0x97: {  	s2 =	simm.s32 $_size__tile_overlayer_lowered;
	s3 =	simm.s32 $_tile_overlayer_lowered  }
0x98: {  	s20 =	simm.s32 $0x1BFF;
	s19 =	sshll.u32 s3, $0x1;
	s0 =	sadd.s32 s17, s16  }
0x99: {  	s4 =	simm.s32 $0x0;
	s18 =	sshll.u32 s2, $0x1;
	s2 =	sadd.s32 s19, s0  }
0x9a: {  	[timem:s4], [sflag:s20] =	dma.local [hbm:s2], s18  }
0x9b: {  	_ =	swait.ge [sflag:s20], s18  }
0x9c: {  	s1 =	ssub.s32 $0x0, s18;
	[sflag:s20] =	ssyncset.done $0x0  }
0x9d: {  	[sflag:s20] =	ssyncadd.s32 s1;
	_ =	sdelay $0x1  }
0x9e: {  	s21 =	simm.s32 $0x1B8B  }
0x9f: {  	_ =	swait.ge [sflag:s21], $0x1  }
0xa0: {  	[sflag:s21] =	ssyncset.done $0x0  }
0xa1: {  	s23 =	simm.s32 $0x1B8E;
	s22 =	sld [smem:$0x3FFE];
	[sflag:s21] =	ssyncadd.s32 $0xFFFFFFFF  }
0xa2: {  	s24 =	simm.s32 $execute0_lowered;
	[smem:$0x3FD2] =	sst s23  }
0xa3: {  	s2 =	sshll.u32 s24, $0x1;
	_ =	strace $0x80000046;
	[dreg:$0x1] =	wrdreg $0xFFFFFFFF  }
0xa4: {  	s25 =	simm.s32 $_size_execute0_lowered;
	s0 =	sadd.s32 s0, s2;
	[dreg:$0x0] =	wrdreg $0x0  }
0xa5: {  	s2 =	sshll.u32 s25, $0x1;
	[dreg:$0x2] =	wrdreg s0  }
0xa6: {  	[dreg:$0x3] =	wrdreg s2  }
0xa7: {  	[dreg:$0x4] =	wrdreg $0xC0  }
0xa8: {  	_ =	task [dreg:s4], $0x5FFFF  }
0xa9: {  	[dreg:$0x1] =	wrdreg $0xFFFFFFFF  }
0xaa: {  	[dreg:$0x0] =	wrdreg $0x60  }
0xab: {  	[dreg:$0x2] =	wrdreg s22  }
0xac: {  	[dreg:$0x3] =	wrdreg $0x191000  }
0xad: {  	[dreg:$0x4] =	wrdreg $0x9  }
0xae: {  	_ =	task.clear_ibuf [dreg:s4], $0x5FFFF;
	_ =	strace $0x90000046  }
0xaf: {  	s26 =	simm.s32 $0x9;
	_ =	strace $0x80000048  }
0xb0: {  	_ =	swait.ge [sflag:s26], $0x1  }
0xb1: {  	[sflag:s26] =	ssyncadd.s32 $0xFFFFFFFF  }
0xb2: {  	_ =	strace $0x90000048  }
0xb3: {  	_ =	sfence  }
0xb4: {  	s28 =	sld [smem:$0x0];
	_ =	sdelay $0x1  }
0xb5: {  	s29 =	srdreg.scid  }
0xb6: {  	s30 =	sshll.u32 s29, $0xD;
	s31 =	sshrl.u32 s29, $0x2  }
0xb7: {  	s1 =	sand.u32 $0x1, s29;
	s2 =	sand.u32 $0x4000, s30;
	s0 =	sadd.s32 s31, s28  }
0xb8: {  	s1 =	sor.u32 s2, s1;
	s0 =	sshll.u32 s0, $0x11  }
0xb9: {  	s0 =	sor.u32 s0, s1  }
0xba: {  	s0 =	sadd.s32 $0x8F2B, s0  }
0xbb: {  	[sflag:s0] =	ssyncadd.remote.s32 $0x1  }
0xbc: {  	_ =	sfence.sel $0xFFFF  }
0xbd: {  	[dreg:$0x0] =	wrdreg $0xFFFFFFFF;
	(pc) =	sbr.abs _section_cstart, $3  }
0xbe: {  	[dreg:$0x1] =	wrdreg $0xFFFFFFFF  }
0xbf: {  	_ =	task.clear_ibuf [dreg:s4], $0x2FFFF;
	_ =	strace $0x9FFFFFFF  }
0xc0: {  	(tm) =	ssettm $0x7FFFFFFF  }
0xc1: {  	_ =	shalt  }
tec
execute0_lowered:
.L_overlay_start_1:
0x0: {  	(tag) =	ssettag $0x1  }
0x1: {  	s10 =	stileid.u32  }
0x2: {  	s3 =	smul.u32 $0x1900, s10  }
0x3: {  	s0 =	rddreg [dreg:$0x0]  }
0x4: {  	s4 =	rddreg [dreg:$0x1];
	s1 =	simm.s32 $0x0;
	s15 =	sshrl.u32 s3, $0x3  }
0x5: {  	[smem:$0x7FF] =	sst s1;
	s2 =	sadd.s32 s15, s0  }
0x6: {  	s6 =	simm.s32 $0x4;
	_ =	strace $0x80000047;
	s5 =	sadd.s32 $0x18800, s2  }
0x7: {  	[tilespmem:s1], [sflag:$0x4] =	stream.linear.gather [hbm4b:s5+s1], $0x1900, $0x38;
	[tilespmem:$0x199E0] =	vst v63  }
0x8: {  	_ =	swait.ge [sflag:s6], $0x1900  }
0x9: {  	[sflag:s6] =	ssyncset.done $0x0  }
0xa: {  	s7 =	simm.s32 $0x1900;
	s24 =	sadd.s32 $0x1BA00, s2;
	[sflag:s6] =	ssyncadd.s32 $0xFFFFE700  }
0xb: {  	[tilespmem:s7], [sflag:$0x4] =	stream.linear.gather [hbm4b:s24+s1], $0x1900, $0x38;
	[tilespmem:$0x199E0] =	vst v63  }
0xc: {  	_ =	swait.ge [sflag:s6], $0x1900  }
0xd: {  	[sflag:s6] =	ssyncset.done $0x0  }
0xe: {  	s26 =	simm.s32 $0x3200;
	s25 =	sadd.s32 $0x8E00, s2;
	[sflag:s6] =	ssyncadd.s32 $0xFFFFE700  }
0xf: {  	[tilespmem:s26], [sflag:$0x4] =	stream.linear.gather [hbm4b:s25+s1], $0x1900, $0x38;
	[tilespmem:$0x199E0] =	vst v63  }
0x10: {  	_ =	swait.ge [sflag:s6], $0x1900  }
0x11: {  	s29 =	simm.s32 $0x4B00;
	s30 =	simm.s32 $0x6400;
	[sflag:s6] =	ssyncset.done $0x0  }
0x12: {  	s8 =	sadd.s32 $0x1FE00, s0;
	s28 =	sadd.s32 $0x2A00, s2;
	[sflag:s6] =	ssyncadd.s32 $0xFFFFE700  }
0x13: {  	[tilespmem:s29], [sflag:$0x4] =	stream.linear.gather [hbm4b:s28+s1], $0x1900, $0x38;
	[tilespmem:$0x199E0] =	vst v63  }
0x14: {  	s9 =	sadd.s32 $0x2C600, s0;
	s31 =	sadd.s32 $0x2F800, s0;
	_ =	swait.ge [sflag:s6], $0x1900  }
0x15: {  	s2 =	sadd.s32 $0x5C00, s2;
	[dreg:$0x5] =	wrdreg s9;
	[sflag:s6] =	ssyncset.done $0x0  }
0x16: {  	s5 =	sadd.s32 $0x1EC00, s0;
	[dreg:$0x4] =	wrdreg s31;
	[sflag:s6] =	ssyncadd.s32 $0xFFFFE700  }
0x17: {  	[tilespmem:s30], [sflag:$0x4] =	stream.linear.gather [hbm4b:s2+s1], $0x1900, $0x38;
	[tilespmem:$0x199E0] =	vst v63  }
0x18: {  	s7 =	sadd.s32 $0xC000, s0;
	s9 =	simm.s32 $0x0;
	_ =	swait.ge [sflag:s6], $0x1900  }
0x19: {  	s2 =	sadd.s32 $0x32A00, s0;
	s1 =	sadd.s32 $0x35C00, s0;
	[sflag:s6] =	ssyncset.done $0x0  }
0x1a: {  	v0 =	vimm.f32 $0.0e+00;
	s0 =	sadd.s32 $0x38E00, s0;
	[sflag:s6] =	ssyncadd.s32 $0xFFFFE700;
	s6 =	simm.s32 $0x40  }
.LBB2_1:
0x1b: {  	p0 =	sne.s32 s6, $0x2340;
	[tilespmem:s9+$0x18800] =	vst v0;
	s9 =	smov.u32 s6;
	s6 =	sadd.s32 $0x40, s6  }
.Ltmp0:
0x1c: {  	(pc) =	sbr.rel @p0 .LBB2_1-.Ltmp0, $2  }
0x1d: {  	_ =	sdelay $0x2  }
0x1e: {  	s9 =	sshra.s32 s9, $0x2  }
0x1f: {  	s6 =	smul.u32 $0x8E0, s10;
	_ =	sdelay $0x1  }
0x20: {  	[tilespmem:s9+$0x18800] =	vst v0;
	s9 =	simm.s32 $0x0;
	s10 =	sshrl.u32 s6, $0x3  }
0x21: {  	s11 =	simm.s32 $0x4;
	s5 =	sadd.s32 s5, s10;
	s10 =	simm.s32 $0x16F00  }
0x22: {  	[tilespmem:s10], [sflag:$0x4] =	stream.linear.gather [hbm4b:s5+s9], $0x8E0, $0x38;
	[tilespmem:$0x199E0] =	vst v63  }
0x23: {  	_ =	swait.ge [sflag:s11], $0x8E0  }
0x24: {  	[sflag:s11] =	ssyncset.done $0x0  }
0x25: {  	s12 =	sadd.s32 s6, s4;
	[sflag:s11] =	ssyncadd.s32 $0xFFFFF720  }
0x26: {  	[spmem:s12] =	stream.linear.scatter [tilespmem:s10], [sflag:$0x4], $0x8E0, $0x38;
	[tilespmem:$0x199E0] =	vst v63  }
0x27: {  	_ =	swait.ge [sflag:s11], $0x8E0  }
0x28: {  	[sflag:s11] =	ssyncset.done $0x0  }
0x29: {  	s13 =	simm.s32 $0x1900;
	[sflag:s11] =	ssyncadd.s32 $0xFFFFF720  }
0x2a: {  	s28 =	simm.s32 $0x3200;
	s29 =	simm.s32 $0x7D00;
	[bflag:$0x0] =	sbarrier.arrive $0xFFFF  }
0x2b: {  	[tilespmem:s29], [sflag:$0x4] =	stream.indirect.gather [spmem:s4], $0x1, s28, s13, $0xb8;
	[tilespmem:$0x199E0] =	vst v63  }
0x2c: {  	_ =	swait.ge [sflag:s11], $0x1900  }
0x2d: {  	[sflag:s11] =	ssyncset.done $0x0  }
0x2e: {  	s14 =	simm.s32 $0x4B00;
	s30 =	simm.s32 $0x9600;
	[sflag:s11] =	ssyncadd.s32 $0xFFFFE700  }
0x2f: {  	[tilespmem:s30], [sflag:$0x4] =	stream.indirect.gather [spmem:s4], $0x1, s14, s13, $0xb8;
	[tilespmem:$0x199E0] =	vst v63  }
0x30: {  	_ =	swait.ge [sflag:s11], $0x1900  }
0x31: {  	[sflag:s11] =	ssyncset.done $0x0  }
0x32: {  	s16 =	simm.s32 $0x6400;
	s31 =	simm.s32 $0xAF00;
	[sflag:s11] =	ssyncadd.s32 $0xFFFFE700  }
0x33: {  	[tilespmem:s31], [sflag:$0x4] =	stream.indirect.gather [spmem:s4], $0x1, s16, s13, $0xb8;
	[tilespmem:$0x199E0] =	vst v63  }
0x34: {  	_ =	swait.ge [sflag:s11], $0x1900  }
0x35: {  	[sflag:s11] =	ssyncset.done $0x0  }
0x36: {  	[sflag:s11] =	ssyncadd.s32 $0xFFFFE700  }
0x37: {  	s2 =	sadd.s32 s2, s15;
	[bflag:$0x0] =	sbarrier.arrive $0xFFFF  }
0x38: {  	[hbm4b:s2+s9] =	stream.linear.scatter [tilespmem:s29], [sflag:$0x4], $0x1900, $0x38;
	[tilespmem:$0x199E0] =	vst v63  }
0x39: {  	_ =	swait.ge [sflag:s11], $0x1900  }
0x3a: {  	[sflag:s11] =	ssyncset.done $0x0  }
0x3b: {  	s1 =	sadd.s32 s1, s15;
	[sflag:s11] =	ssyncadd.s32 $0xFFFFE700  }
0x3c: {  	[hbm4b:s1+s9] =	stream.linear.scatter [tilespmem:s30], [sflag:$0x4], $0x1900, $0x38;
	[tilespmem:$0x199E0] =	vst v63  }
0x3d: {  	_ =	swait.ge [sflag:s11], $0x1900  }
0x3e: {  	[sflag:s11] =	ssyncset.done $0x0  }
0x3f: {  	s0 =	sadd.s32 s0, s15;
	[dreg:$0x3] =	wrdreg s15;
	[sflag:s11] =	ssyncadd.s32 $0xFFFFE700  }
0x40: {  	[hbm4b:s0+s9] =	stream.linear.scatter [tilespmem:s31], [sflag:$0x4], $0x1900, $0x38;
	[tilespmem:$0x199E0] =	vst v63  }
0x41: {  	_ =	swait.ge [sflag:s11], $0x1900  }
0x42: {  	[sflag:s11] =	ssyncset.done $0x0  }
0x43: {  	s17 =	simm.s32 $0x18800;
	[sflag:s11] =	ssyncadd.s32 $0xFFFFE700  }
0x44: {  	[spmem:s12] =	stream.linear.scatter [tilespmem:s17], [sflag:$0x4], $0x8E0, $0x38;
	[tilespmem:$0x199E0] =	vst v63  }
0x45: {  	s18 =	simm.s32 $0x15600;
	_ =	swait.ge [sflag:s11], $0x8E0  }
0x46: {  	s19 =	simm.s32 $0x1;
	s20 =	simm.s32 $0xC800;
	[sflag:s11] =	ssyncset.done $0x0  }
0x47: {  	s21 =	simm.s32 $0x2;
	v0 =	vimm.f32 $0.0e+00;
	s22 =	simm.s32 $0x0;
	[sflag:s11] =	ssyncadd.s32 $0xFFFFF720  }
.LBB2_3:
0x48: {  	s0 =	smul.u32 $0x19000, s22;
	_ =	sdelay $0x1  }
0x49: {  	s0 =	sadd.s32 s3, s0  }
0x4a: {  	s23 =	sshrl.u32 s0, $0x3  }
0x4b: {  	s0 =	sadd.s32 s7, s23  }
0x4c: {  	[tilespmem:s18], [sflag:$0x2] =	stream.linear.gather [hbm4b:s0+s9], $0x1900, $0x38;
	[tilespmem:$0x199E0] =	vst v63  }
0x4d: {  	s14 =	simm.s32 $0x3200;
	[bflag:$0x0] =	sbarrier.arrive $0xFFFF  }
0x4e: {  	[spmem:s4] =	stream.indirect.scatter.add.f32 [tilespmem:s9], [sflag:$0x1], $0x1, s14, s13, $0xb8;
	[tilespmem:$0x199E0] =	vst v63  }
0x4f: {  	s15 =	simm.s32 $0x4B00  }
0x50: {  	[spmem:s4] =	stream.indirect.scatter.add.f32 [tilespmem:s9], [sflag:$0x1], $0x1, s15, s13, $0xb8;
	[tilespmem:$0x199E0] =	vst v63  }
0x51: {  	_ = 	snop  }
0x52: {  	[spmem:s4] =	stream.indirect.scatter.add.f32 [tilespmem:s9], [sflag:$0x1], $0x1, s16, s13, $0xb8;
	[tilespmem:$0x199E0] =	vst v63  }
0x53: {  	_ =	swait.ge [sflag:s19], $0x1900  }
0x54: {  	[sflag:s19] =	ssyncset.done $0x0  }
0x55: {  	[sflag:s19] =	ssyncadd.s32 $0xFFFFE700  }
0x56: {  	_ =	swait.ge [sflag:s19], $0x1900  }
0x57: {  	[sflag:s19] =	ssyncset.done $0x0  }
0x58: {  	[sflag:s19] =	ssyncadd.s32 $0xFFFFE700  }
0x59: {  	_ =	swait.ge [sflag:s19], $0x1900  }
0x5a: {  	[sflag:s19] =	ssyncset.done $0x0  }
0x5b: {  	[sflag:s19] =	ssyncadd.s32 $0xFFFFE700  }
0x5c: {  	[bflag:$0x0] =	sbarrier.arrive $0xFFFF  }
0x5d: {  	[tilespmem:s20], [sflag:$0x4] =	stream.linear.gather [spmem:s4], $0x8E00, $0x38;
	[tilespmem:$0x199E0] =	vst v63  }
0x5e: {  	_ =	swait.ge [sflag:s11], $0x8E00  }
0x5f: {  	[sflag:s11] =	ssyncset.done $0x0  }
0x60: {  	[sflag:s11] =	ssyncadd.s32 $0xFFFF7200  }
0x61: {  	[bflag:$0x0] =	sbarrier.arrive $0xFFFF  }
0x62: {  	[spmem:s12] =	stream.linear.scatter [tilespmem:s17], [sflag:$0x4], $0x8E0, $0x38;
	[tilespmem:$0x199E0] =	vst v63  }
0x63: {  	_ =	swait.ge [sflag:s11], $0x8E0  }
0x64: {  	[sflag:s11] =	ssyncset.done $0x0  }
0x65: {  	[sflag:s11] =	ssyncadd.s32 $0xFFFFF720  }
0x66: {  	_ =	swait.ge [sflag:s21], $0x1900  }
0x67: {  	p0 =	seq.s32 s22, $0x0;
	[sflag:s21] =	ssyncset.done $0x0  }
0x68: {  	s0 =	simm.s32 @!p0 $0x3;
	[sflag:s21] =	ssyncadd.s32 $0xFFFFE700  }
0x69: {  	_ =	swait.ge @!p0 [sflag:s0], $0x1900  }
0x6a: {  	[sflag:s0] =	ssyncset.done @!p0 $0x0  }
0x6b: {  	s24 =	simm.s32 $0x3240;
	[sflag:s0] =	ssyncadd.s32 @!p0 $0xFFFFE700  }
0x6c: {  	s25 =	simm.s32 $0x4B40;
	v1 =	vld [tilespmem:s24+$0x30]  }
0x6d: {  	s26 =	simm.s32 $0x6440;
	v2 =	vld [tilespmem:s25+$0x30]  }
0x6e: {  	v3 =	vld [tilespmem:s26+$0x30]  }
0x6f: {  	v4 =	vld [tilespmem:s24+$0xFFFFFFC0]  }
0x70: {  	v5 =	vld [tilespmem:s25+$0xFFFFFFC0]  }
0x71: {  	s28 =	simm.s32 $0x7D40;
	v6 =	vld [tilespmem:s24+$0xFFFFFFD0]  }
0x72: {  	s29 =	simm.s32 $0x9640;
	v7 =	vld [tilespmem:s28+$0x30]  }
0x73: {  	s30 =	simm.s32 $0xAF40;
	v9 =	vld [tilespmem:s29+$0x30]  }
0x74: {  	s31 =	simm.s32 $0x1940;
	v10 =	vld [tilespmem:s30+$0x30]  }
0x75: {  	v8 =	vld [tilespmem:s31+$0x30]  }
0x76: {  	v11 =	vld [tilespmem:s25+$0xFFFFFFD0]  }
0x77: {  	v12 =	vld [tilespmem:s24+$0xFFFFFFE0]  }
0x78: {  	v13 =	vld [tilespmem:s25+$0xFFFFFFE0]  }
0x79: {  	v14 =	vld [tilespmem:s24+$0xFFFFFFF0]  }
0x7a: {  	v15 =	vld [tilespmem:s25+$0xFFFFFFF0]  }
0x7b: {  	v16 =	vld [tilespmem:s24+$0x0]  }
0x7c: {  	v17 =	vld [tilespmem:s25+$0x0]  }
0x7d: {  	v18 =	vld [tilespmem:s24+$0x10]  }
0x7e: {  	v19 =	vld [tilespmem:s25+$0x10]  }
0x7f: {  	v20 =	vld [tilespmem:s24+$0x20]  }
0x80: {  	v21 =	vld [tilespmem:s25+$0x20]  }
0x81: {  	v22 =	vld [tilespmem:s26+$0xFFFFFFC0]  }
0x82: {  	v23 =	vld [tilespmem:s26+$0xFFFFFFD0]  }
0x83: {  	v24 =	vld [tilespmem:s26+$0xFFFFFFE0]  }
0x84: {  	v25 =	vld [tilespmem:s26+$0xFFFFFFF0]  }
0x85: {  	v26 =	vld [tilespmem:s26+$0x0]  }
0x86: {  	v27 =	vld [tilespmem:s26+$0x10]  }
0x87: {  	s1 =	simm.s32 $0x15640;
	v28 =	vld [tilespmem:s26+$0x20]  }
0x88: {  	v29 =	vld [tilespmem:s1+$0x30]  }
0x89: {  	v31 =	vld [tilespmem:s29+$0xFFFFFFE0]  }
0x8a: {  	v32 =	vld [tilespmem:s28+$0xFFFFFFF0]  }
0x8b: {  	v33 =	vld [tilespmem:s28+$0x0]  }
0x8c: {  	v34 =	vld [tilespmem:s29+$0x0]  }
0x8d: {  	v35 =	vld [tilespmem:s28+$0x10]  }
0x8e: {  	v36 =	vld [tilespmem:s29+$0x10]  }
0x8f: {  	v37 =	vld [tilespmem:s28+$0x20]  }
0x90: {  	v38 =	vld [tilespmem:s29+$0x20]  }
0x91: {  	v61 =	vld [tilespmem:s30+$0xFFFFFFF0]  }
0x92: {  	s24 =	simm.s32 $0x40;
	v62 =	vld [tilespmem:s30+$0x20]  }
0x93: {  	v30 =	vld [tilespmem:s24+$0x30]  }
0x94: {  	v1 =	vld.idx.msk [tilespmem:v1+s20+$0x0], $0xffff  }
0x95: {  	v2 =	vld.idx.msk [tilespmem:v2+s20+$0x0], $0xffff  }
0x96: {  	v3 =	vld.idx.msk [tilespmem:v3+s20+$0x0], $0xffff  }
0x97: {  	v4 =	vld.idx.msk [tilespmem:v4+s20+$0x0], $0xffff  }
0x98: {  	v5 =	vld.idx.msk [tilespmem:v5+s20+$0x0], $0xffff  }
0x99: {  	v6 =	vld.idx.msk [tilespmem:v6+s20+$0x0], $0xffff  }
0x9a: {  	v11 =	vld.idx.msk [tilespmem:v11+s20+$0x0], $0xffff  }
0x9b: {  	v12 =	vld.idx.msk [tilespmem:v12+s20+$0x0], $0xffff;
	v1 =	vmul.f32 v7, v1;
	v2 =	vmul.f32 v9, v2  }
0x9c: {  	v13 =	vld.idx.msk [tilespmem:v13+s20+$0x0], $0xffff;
	v3 =	vmul.f32 v10, v3  }
0x9d: {  	v14 =	vld.idx.msk [tilespmem:v14+s20+$0x0], $0xffff;
	v1 =	vmul.f32 v1, v8;
	v2 =	vmul.f32 v2, v8  }
0x9e: {  	v15 =	vld.idx.msk [tilespmem:v15+s20+$0x0], $0xffff  }
0x9f: {  	v16 =	vld.idx.msk [tilespmem:v16+s20+$0x0], $0xffff;
	v3 =	vmul.f32 v3, v8;
	v1 =	vadd.f32 v2, v1  }
0xa0: {  	v22 =	vld.idx.msk [tilespmem:v22+s20+$0x0], $0xffff  }
0xa1: {  	v23 =	vld.idx.msk [tilespmem:v23+s20+$0x0], $0xffff;
	v1 =	vadd.f32 v3, v1  }
0xa2: {  	v7 =	vld.idx.msk [tilespmem:v17+s20+$0x0], $0xffff  }
0xa3: {  	v9 =	vld.idx.msk [tilespmem:v18+s20+$0x0], $0xffff;
	v1 =	vsub.f32 $0.0e+00, v1  }
0xa4: {  	v10 =	vld.idx.msk [tilespmem:v19+s20+$0x0], $0xffff  }
0xa5: {  	v17 =	vld.idx.msk [tilespmem:v20+s20+$0x0], $0xffff;
	v1 =	vmul.f32 $1.442695020e+00, v1  }
0xa6: {  	v18 =	vld [tilespmem:s28+$0xFFFFFFC0]  }
0xa7: {  	v20 =	vld [tilespmem:s29+$0xFFFFFFD0];
	(erf) = vpow2.f32 v1  }
0xa8: {  	v2 =	vld.idx.msk [tilespmem:v21+s20+$0x0], $0xffff  }
0xa9: {  	v3 =	vld [tilespmem:s29+$0xFFFFFFC0]  }
0xaa: {  	v21 =	vld [tilespmem:s28+$0xFFFFFFE0]  }
0xab: {  	v19 =	vld [tilespmem:s28+$0xFFFFFFD0]  }
0xac: {  	v24 =	vld.idx.msk [tilespmem:v24+s20+$0x0], $0xffff  }
0xad: {  	v59 =	vmul.f32 v18, v4;
	v18 =	vld.idx.msk [tilespmem:v27+s20+$0x0], $0xffff  }
0xae: {  	v27 =	vmul.f32 v3, v5;
	v1 =	vld [tilespmem:s29+$0xFFFFFFF0]  }
0xaf: {  	v5 =	vmul.f32 v20, v11;
	v11 =	vmul.f32 v21, v12;
	v12 =	vld [tilespmem:s30+$0xFFFFFFC0]  }
0xb0: {  	v13 =	vmul.f32 v31, v13;
	v3 =	vmul.f32 v19, v6;
	v6 =	vld [tilespmem:s31+$0xFFFFFFD0];
	v39 =	vpop (erf)  }
0xb1: {  	v14 =	vmul.f32 v32, v14;
	v19 =	vld [tilespmem:s30+$0xFFFFFFD0];
	v40 =	vadd.f32 $1.000000000e-15, v39;
	v4 =	vsub.f32 $1.000000000e+00, v39  }
0xb2: {  	v16 =	vmul.f32 v33, v16;
	v7 =	vmul.f32 v34, v7;
	v21 =	vld [tilespmem:s30+$0xFFFFFFE0]  }
0xb3: {  	v15 =	vmul.f32 v1, v15;
	v1 =	vld [tilespmem:s31+$0xFFFFFFF0];
	v29 =	vmul.f32 v40, v29;
	v4 =	vadd.f32 $1.000000000e-15, v4  }
0xb4: {  	v25 =	vld.idx.msk [tilespmem:v25+s20+$0x0], $0xffff;
	v9 =	vmul.f32 v35, v9;
	v10 =	vmul.f32 v36, v10  }
0xb5: {  	v17 =	vmul.f32 v37, v17;
	v60 =	vmul.f32 v38, v2;
	vm0 =	vge.f32 v4, v29;
	v4 =	vld [tilespmem:s31+$0xFFFFFFE0]  }
0xb6: {  	v26 =	vld.idx.msk [tilespmem:v26+s20+$0x0], $0xffff;
	v12 =	vmul.f32 v12, v22;
	v22 =	vmul.f32 v3, v6  }
0xb7: {  	v5 =	vmul.f32 v5, v6;
	v3 =	vmul.f32 v19, v23;
	v19 =	vld [tilespmem:s30+$0x0]  }
0xb8: {  	v2 =	vld [tilespmem:s31+$0x0];
	v21 =	vmul.f32 v21, v24;
	v14 =	vmul.f32 v14, v1;
	v29 =	vsel vm0, $0x3F800000, v0  }
0xb9: {  	v28 =	vld.idx.msk [tilespmem:v28+s20+$0x0], $0xffff;
	v15 =	vmul.f32 v15, v1;
	v20 =	vmul.f32 $2.000000030e-01, v29  }
0xba: {  	v24 =	vld [tilespmem:s30+$0x10];
	v22 =	vadd.f32 v5, v22;
	v11 =	vmul.f32 v11, v4;
	v13 =	vmul.f32 v13, v4  }
0xbb: {  	v14 =	vadd.f32 v15, v14;
	v23 =	vadd.f32 v20, v30;
	v20 =	vmul.f32 v3, v6;
	v3 =	vld [tilespmem:s31+$0x10]  }
0xbc: {  	v5 =	vld [tilespmem:s31+$0x20];
	v15 =	vmul.f32 v19, v26;
	v11 =	vadd.f32 v13, v11;
	v13 =	vmul.f32 v21, v4  }
0xbd: {  	v8 =	vsub.f32 v8, v29;
	v21 =	vmul.f32 v61, v25;
	v25 =	vmul.f32 v7, v2;
	v7 =	vld [tilespmem:s31+$0xFFFFFFC0]  }
0xbe: {  	v16 =	vmul.f32 v16, v2;
	v26 =	vmul.f32 v62, v28;
	v22 =	vadd.f32 v20, v22;
	v20 =	vld [tilespmem:s1+$0xFFFFFFC0];
	[tilespmem:s24+$0x30] =	vst v23  }
0xbf: {  	v15 =	vmul.f32 v15, v2;
	[tilespmem:s31+$0x30] =	vst v8;
	v8 =	vld [tilespmem:s24+$0x20];
	v19 =	vmul.f32 v21, v1;
	v11 =	vadd.f32 v13, v11  }
0xc0: {  	v9 =	vmul.f32 v9, v3;
	v10 =	vmul.f32 v10, v3;
	v13 =	vadd.f32 v25, v16;
	v21 =	vld [tilespmem:s1+$0xFFFFFFD0]  }
0xc1: {  	v16 =	vmul.f32 v24, v18;
	v25 =	vmul.f32 v60, v5;
	v18 =	vld [tilespmem:s1+$0xFFFFFFF0];
	v24 =	vadd.f32 v19, v14  }
0xc2: {  	v19 =	vld [tilespmem:s1+$0xFFFFFFE0];
	v9 =	vadd.f32 v10, v9;
	v10 =	vmul.f32 v59, v7;
	v27 =	vmul.f32 v27, v7  }
0xc3: {  	v22 =	vsub.f32 $0.0e+00, v22;
	v14 =	vmul.f32 v17, v5;
	v16 =	vmul.f32 v16, v3;
	v17 =	vld [tilespmem:s1+$0x0]  }
0xc4: {  	v28 =	vadd.f32 v15, v13;
	v15 =	vld [tilespmem:s1+$0x10];
	v12 =	vmul.f32 v12, v7;
	v10 =	vadd.f32 v27, v10  }
0xc5: {  	v13 =	vld [tilespmem:s1+$0x20];
	v11 =	vsub.f32 $0.0e+00, v11;
	v14 =	vadd.f32 v25, v14;
	v25 =	vmul.f32 v26, v5  }
0xc6: {  	v63 =	vmul.f32 $1.442695020e+00, v22;
	v9 =	vadd.f32 v16, v9;
	v16 =	vld [tilespmem:s24+$0xFFFFFFC0];
	v10 =	vadd.f32 v12, v10  }
0xc7: {  	v26 =	vsub.f32 $0.0e+00, v28;
	v22 =	vmul.f32 $1.442695020e+00, v11;
	v11 =	vld [tilespmem:s24+$0xFFFFFFF0];
	v25 =	vadd.f32 v25, v14  }
0xc8: {  	(erf) = vpow2.f32 v63;
	v14 =	vld [tilespmem:s24+$0xFFFFFFD0];
	v27 =	vsub.f32 $0.0e+00, v9;
	v10 =	vsub.f32 $0.0e+00, v10  }
0xc9: {  	v24 =	vsub.f32 $0.0e+00, v24;
	v23 =	vmul.f32 $1.442695020e+00, v26;
	v9 =	vld [tilespmem:s24+$0x0];
	v25 =	vsub.f32 $0.0e+00, v25  }
0xca: {  	s5 =	simm.s32 $0x1940;
	s2 =	simm.s32 $0x40;
	s0 =	simm.s32 $0x16F40;
	v12 =	vld [tilespmem:s24+$0xFFFFFFE0];
	v26 =	vmul.f32 $1.442695020e+00, v27;
	v27 =	vmul.f32 $1.442695020e+00, v10  }
0xcb: {  	s6 =	simm.s32 $0x16F40;
	s14 =	simm.s32 $0x0;
	s15 =	simm.s32 $0x32C0;
	[tilespmem:s0+$0x30] =	vst v29;
	v24 =	vmul.f32 $1.442695020e+00, v24;
	v25 =	vmul.f32 $1.442695020e+00, v25;
	v10 =	vld [tilespmem:s24+$0x10]  }
.LBB2_4:
0xcc: {  	v28 =	vld [tilespmem:s15+$0x30];
	s25 =	sadd.s32 $0x80, s25;
	(erf) = vpow2.f32 v27  }
0xcd: {  	s26 =	sadd.s32 $0x80, s26;
	v27 =	vld [tilespmem:s25+$0x30];
	(erf) = vpow2.f32 v22  }
0xce: {  	v29 =	vld [tilespmem:s26+$0x30];
	(erf) = vpow2.f32 v24  }
0xcf: {  	s14 =	sadd.s32 $0x8, s14;
	v24 =	vld [tilespmem:s15+$0xFFFFFFC0];
	(erf) = vpow2.f32 v23  }
0xd0: {  	p0 =	slt.u32 s14, $0x188;
	v23 =	vld [tilespmem:s25+$0xFFFFFFC0];
	(erf) = vpow2.f32 v26  }
0xd1: {  	s28 =	sadd.s32 $0x80, s28;
	v22 =	vld [tilespmem:s15+$0xFFFFFFD0];
	(erf) = vpow2.f32 v25  }
0xd2: {  	s29 =	sadd.s32 $0x80, s29;
	v25 =	vld [tilespmem:s28+$0x30]  }
0xd3: {  	v26 =	vld [tilespmem:s29+$0x30]  }
0xd4: {  	v28 =	vld.idx.msk [tilespmem:v28+s20+$0x0], $0xffff;
	v30 =	vpop (erf)  }
0xd5: {  	v27 =	vld.idx.msk [tilespmem:v27+s20+$0x0], $0xffff;
	v31 =	vsub.f32 $1.000000000e+00, v30;
	v30 =	vadd.f32 $1.000000000e-15, v30;
	v32 =	vpop (erf)  }
0xd6: {  	s30 =	sadd.s32 $0x80, s30;
	v29 =	vld.idx.msk [tilespmem:v29+s20+$0x0], $0xffff;
	v33 =	vsub.f32 $1.000000000e+00, v32;
	v32 =	vadd.f32 $1.000000000e-15, v32;
	v34 =	vpop (erf)  }
0xd7: {  	s31 =	sadd.s32 $0x80, s31;
	v35 =	vld [tilespmem:s30+$0x30];
	v30 =	vmul.f32 v30, v21;
	v36 =	vsub.f32 $1.000000000e+00, v34;
	v34 =	vadd.f32 $1.000000000e-15, v34;
	v37 =	vpop (erf)  }
0xd8: {  	v21 =	vld [tilespmem:s31+$0x30];
	v20 =	vmul.f32 v32, v20;
	v32 =	vsub.f32 $1.000000000e+00, v37;
	v37 =	vadd.f32 $1.000000000e-15, v37;
	v38 =	vpop (erf)  }
0xd9: {  	v39 =	vld [tilespmem:s25+$0xFFFFFFD0];
	v19 =	vmul.f32 v34, v19;
	v34 =	vsub.f32 $1.000000000e+00, v38;
	v38 =	vadd.f32 $1.000000000e-15, v38;
	v40 =	vpop (erf)  }
0xda: {  	v41 =	vld [tilespmem:s15+$0xFFFFFFE0];
	v18 =	vmul.f32 v37, v18;
	v37 =	vsub.f32 $1.000000000e+00, v40;
	v40 =	vadd.f32 $1.000000000e-15, v40;
	v42 =	vpop (erf)  }
0xdb: {  	v25 =	vmul.f32 v25, v28;
	v26 =	vmul.f32 v26, v27;
	v43 =	vld [tilespmem:s25+$0xFFFFFFE0];
	v27 =	vsub.f32 $1.000000000e+00, v42  }
0xdc: {  	v33 =	vadd.f32 $1.000000000e-15, v33;
	v28 =	vld [tilespmem:s15+$0xFFFFFFF0];
	v29 =	vmul.f32 v35, v29;
	v35 =	vadd.f32 $1.000000000e-15, v42  }
0xdd: {  	v31 =	vadd.f32 $1.000000000e-15, v31;
	v42 =	vld [tilespmem:s25+$0xFFFFFFF0];
	v25 =	vmul.f32 v25, v21;
	v26 =	vmul.f32 v26, v21  }
0xde: {  	v36 =	vadd.f32 $1.000000000e-15, v36;
	v32 =	vadd.f32 $1.000000000e-15, v32;
	v17 =	vmul.f32 v38, v17;
	v44 =	vld [tilespmem:s15+$0x0]  }
0xdf: {  	v29 =	vmul.f32 v29, v21;
	v38 =	vld [tilespmem:s25+$0x0];
	v25 =	vadd.f32 v26, v25;
	v26 =	vadd.f32 $1.000000000e-15, v34  }
0xe0: {  	v37 =	vadd.f32 $1.000000000e-15, v37;
	v15 =	vmul.f32 v40, v15;
	v27 =	vadd.f32 $1.000000000e-15, v27;
	v34 =	vld [tilespmem:s15+$0x10]  }
0xe1: {  	vm0 =	vge.f32 v33, v20;
	v20 =	vmul.f32 v35, v13;
	v40 =	vld [tilespmem:s25+$0x10];
	v25 =	vadd.f32 v29, v25  }
0xe2: {  	vm1 =	vge.f32 v31, v30;
	vm2 =	vge.f32 v36, v19;
	vm3 =	vge.f32 v32, v18;
	v29 =	vld [tilespmem:s15+$0x20]  }
0xe3: {  	vm5 =	vge.f32 v37, v15;
	vm4 =	vge.f32 v26, v17;
	v19 =	vld [tilespmem:s25+$0x20];
	v18 =	vsub.f32 $0.0e+00, v25  }
0xe4: {  	v26 =	vsel vm1, $0x3F800000, v0;
	v25 =	vsel vm0, $0x3F800000, v0;
	vm0 =	vge.f32 v27, v20;
	v13 =	vld [tilespmem:s26+$0xFFFFFFC0]  }
0xe5: {  	v30 =	vsel vm3, $0x3F800000, v0;
	v27 =	vsel vm2, $0x3F800000, v0;
	v15 =	vld [tilespmem:s26+$0xFFFFFFD0];
	v20 =	vmul.f32 $1.442695020e+00, v18  }
0xe6: {  	v32 =	vsel vm5, $0x3F800000, v0;
	v31 =	vsel vm4, $0x3F800000, v0;
	v33 =	vsel vm0, $0x3F800000, v0;
	v17 =	vld [tilespmem:s26+$0xFFFFFFE0]  }
0xe7: {  	v35 =	vsub.f32 v7, v25;
	v18 =	vld [tilespmem:s26+$0xFFFFFFF0];
	(erf) = vpow2.f32 v20;
	v20 =	vmul.f32 $2.000000030e-01, v25  }
0xe8: {  	v36 =	vmul.f32 $2.000000030e-01, v26;
	v37 =	vsub.f32 v6, v26;
	v45 =	vmul.f32 $2.000000030e-01, v27;
	v7 =	vld [tilespmem:s26+$0x0]  }
0xe9: {  	v46 =	vmul.f32 $2.000000030e-01, v30;
	v47 =	vmul.f32 $2.000000030e-01, v31;
	v6 =	vld [tilespmem:s26+$0x10];
	v20 =	vadd.f32 v20, v16  }
0xea: {  	v14 =	vadd.f32 v36, v14;
	v36 =	vmul.f32 $2.000000030e-01, v32;
	v48 =	vmul.f32 $2.000000030e-01, v33;
	v16 =	vld [tilespmem:s26+$0x20]  }
0xeb: {  	v11 =	vadd.f32 v46, v11;
	v12 =	vadd.f32 v45, v12;
	v24 =	vld.idx.msk [tilespmem:v24+s20+$0x0], $0xffff;
	[tilespmem:s24+$0xFFFFFFC0] =	vst v20  }
0xec: {  	v9 =	vadd.f32 v47, v9;
	v10 =	vadd.f32 v36, v10;
	v20 =	vld.idx.msk [tilespmem:v23+s20+$0x0], $0xffff;
	[tilespmem:s5+$0xFFFFFFC0] =	vst v35  }
0xed: {  	s1 =	sadd.s32 $0x80, s1;
	v4 =	vsub.f32 v4, v27;
	v8 =	vadd.f32 v48, v8;
	v22 =	vld.idx.msk [tilespmem:v22+s20+$0x0], $0xffff;
	[tilespmem:s0+$0xFFFFFFC0] =	vst v25  }
0xee: {  	v1 =	vsub.f32 v1, v30;
	v2 =	vsub.f32 v2, v31;
	v23 =	vld [tilespmem:s1+$0x30];
	[tilespmem:s24+$0xFFFFFFD0] =	vst v14  }
0xef: {  	v3 =	vsub.f32 v3, v32;
	v5 =	vsub.f32 v5, v33;
	v14 =	vld.idx.msk [tilespmem:v39+s20+$0x0], $0xffff;
	[tilespmem:s5+$0xFFFFFFD0] =	vst v37  }
0xf0: {  	v25 =	vld.idx.msk [tilespmem:v41+s20+$0x0], $0xffff;
	v35 =	vpop (erf);
	[tilespmem:s0+$0xFFFFFFD0] =	vst v26  }
0xf1: {  	v26 =	vld.idx.msk [tilespmem:v43+s20+$0x0], $0xffff;
	v36 =	vsub.f32 $1.000000000e+00, v35;
	v35 =	vadd.f32 $1.000000000e-15, v35;
	[tilespmem:s24+$0xFFFFFFE0] =	vst v12  }
0xf2: {  	v12 =	vld.idx.msk [tilespmem:v28+s20+$0x0], $0xffff;
	[tilespmem:s5+$0xFFFFFFE0] =	vst v4  }
0xf3: {  	s24 =	sadd.s32 $0x80, s24;
	v4 =	vld.idx.msk [tilespmem:v42+s20+$0x0], $0xffff;
	v28 =	vadd.f32 $1.000000000e-15, v36;
	v23 =	vmul.f32 v35, v23;
	[tilespmem:s0+$0xFFFFFFE0] =	vst v27  }
0xf4: {  	v27 =	vld [tilespmem:s24+$0x30];
	[tilespmem:s2+$0xFFFFFFF0] =	vst v11  }
0xf5: {  	v11 =	vld.idx.msk [tilespmem:v44+s20+$0x0], $0xffff;
	vm0 =	vge.f32 v28, v23;
	[tilespmem:s5+$0xFFFFFFF0] =	vst v1  }
0xf6: {  	v1 =	vld.idx.msk [tilespmem:v38+s20+$0x0], $0xffff;
	v23 =	vsel vm0, $0x3F800000, v0;
	[tilespmem:s0+$0xFFFFFFF0] =	vst v30  }
0xf7: {  	v28 =	vld.idx.msk [tilespmem:v34+s20+$0x0], $0xffff;
	v30 =	vmul.f32 $2.000000030e-01, v23;
	[tilespmem:s2+$0x0] =	vst v9  }
0xf8: {  	v9 =	vld.idx.msk [tilespmem:v40+s20+$0x0], $0xffff;
	[tilespmem:s5+$0x0] =	vst v2  }
0xf9: {  	v2 =	vld.idx.msk [tilespmem:v29+s20+$0x0], $0xffff;
	v27 =	vadd.f32 v30, v27;
	[tilespmem:s0+$0x0] =	vst v31  }
0xfa: {  	v21 =	vsub.f32 v21, v23;
	v19 =	vld.idx.msk [tilespmem:v19+s20+$0x0], $0xffff;
	[tilespmem:s2+$0x10] =	vst v10  }
0xfb: {  	v10 =	vld [tilespmem:s28+$0xFFFFFFC0];
	[tilespmem:s24+$0x30] =	vst v27  }
0xfc: {  	s0 =	sadd.s32 $0x80, s0;
	v27 =	vld [tilespmem:s29+$0xFFFFFFC0];
	[tilespmem:s31+$0x30] =	vst v21  }
0xfd: {  	v21 =	vld [tilespmem:s28+$0xFFFFFFD0];
	[tilespmem:s0+$0x30] =	vst v23  }
0xfe: {  	v23 =	vld [tilespmem:s29+$0xFFFFFFD0];
	[tilespmem:s5+$0x10] =	vst v3  }
0xff: {  	v3 =	vld [tilespmem:s28+$0xFFFFFFE0];
	[tilespmem:s6+$0x10] =	vst v32  }
0x100: {  	v10 =	vmul.f32 v10, v24;
	v24 =	vld [tilespmem:s29+$0xFFFFFFE0];
	[tilespmem:s2+$0x20] =	vst v8;
	s2 =	smov.u32 s24  }
0x101: {  	v8 =	vmul.f32 v27, v20;
	v20 =	vld [tilespmem:s28+$0xFFFFFFF0];
	[tilespmem:s5+$0x20] =	vst v5;
	s5 =	smov.u32 s31  }
0x102: {  	v5 =	vmul.f32 v21, v22;
	v21 =	vld [tilespmem:s29+$0xFFFFFFF0];
	[tilespmem:s6+$0x20] =	vst v33;
	s6 =	smov.u32 s0  }
0x103: {  	v14 =	vmul.f32 v23, v14;
	v22 =	vld [tilespmem:s28+$0x0]  }
0x104: {  	v3 =	vmul.f32 v3, v25;
	v23 =	vld [tilespmem:s29+$0x0]  }
0x105: {  	v24 =	vmul.f32 v24, v26;
	v25 =	vld [tilespmem:s28+$0x10]  }
0x106: {  	v12 =	vmul.f32 v20, v12;
	v20 =	vld [tilespmem:s29+$0x10]  }
0x107: {  	v21 =	vmul.f32 v21, v4;
	v4 =	vld [tilespmem:s28+$0x20]  }
0x108: {  	v11 =	vmul.f32 v22, v11;
	v22 =	vld [tilespmem:s29+$0x20]  }
0x109: {  	v13 =	vld.idx.msk [tilespmem:v13+s20+$0x0], $0xffff;
	v23 =	vmul.f32 v23, v1  }
0x10a: {  	v15 =	vld.idx.msk [tilespmem:v15+s20+$0x0], $0xffff;
	v25 =	vmul.f32 v25, v28  }
0x10b: {  	v17 =	vld.idx.msk [tilespmem:v17+s20+$0x0], $0xffff;
	v9 =	vmul.f32 v20, v9  }
0x10c: {  	v18 =	vld.idx.msk [tilespmem:v18+s20+$0x0], $0xffff;
	v26 =	vmul.f32 v4, v2  }
0x10d: {  	v20 =	vld.idx.msk [tilespmem:v7+s20+$0x0], $0xffff;
	v22 =	vmul.f32 v22, v19  }
0x10e: {  	v19 =	vld.idx.msk [tilespmem:v6+s20+$0x0], $0xffff  }
0x10f: {  	v16 =	vld.idx.msk [tilespmem:v16+s20+$0x0], $0xffff  }
0x110: {  	v1 =	vld [tilespmem:s30+$0xFFFFFFC0]  }
0x111: {  	v6 =	vld [tilespmem:s31+$0xFFFFFFD0]  }
0x112: {  	v2 =	vld [tilespmem:s30+$0xFFFFFFD0]  }
0x113: {  	v4 =	vld [tilespmem:s31+$0xFFFFFFE0]  }
0x114: {  	v7 =	vld [tilespmem:s30+$0xFFFFFFE0]  }
0x115: {  	v13 =	vmul.f32 v1, v13;
	v1 =	vld [tilespmem:s31+$0xFFFFFFF0]  }
0x116: {  	v5 =	vmul.f32 v5, v6;
	v14 =	vmul.f32 v14, v6;
	v27 =	vld [tilespmem:s30+$0xFFFFFFF0]  }
0x117: {  	v15 =	vmul.f32 v2, v15;
	v2 =	vld [tilespmem:s31+$0x0]  }
0x118: {  	v5 =	vadd.f32 v14, v5;
	v14 =	vmul.f32 v3, v4;
	v24 =	vmul.f32 v24, v4;
	v28 =	vld [tilespmem:s30+$0x0]  }
0x119: {  	v15 =	vmul.f32 v15, v6;
	v7 =	vmul.f32 v7, v17;
	v3 =	vld [tilespmem:s31+$0x10]  }
0x11a: {  	v14 =	vadd.f32 v24, v14;
	v12 =	vmul.f32 v12, v1;
	v17 =	vmul.f32 v21, v1;
	v24 =	vld [tilespmem:s30+$0x10]  }
0x11b: {  	v29 =	vadd.f32 v15, v5;
	v15 =	vmul.f32 v7, v4;
	v18 =	vmul.f32 v27, v18;
	v5 =	vld [tilespmem:s31+$0x20]  }
0x11c: {  	v12 =	vadd.f32 v17, v12;
	v11 =	vmul.f32 v11, v2;
	v17 =	vmul.f32 v23, v2;
	v23 =	vld [tilespmem:s30+$0x20]  }
0x11d: {  	v7 =	vld [tilespmem:s31+$0xFFFFFFC0];
	v14 =	vadd.f32 v15, v14;
	v15 =	vmul.f32 v18, v1;
	v18 =	vmul.f32 v28, v20  }
0x11e: {  	v20 =	vld [tilespmem:s1+$0xFFFFFFC0];
	v11 =	vadd.f32 v17, v11;
	v17 =	vmul.f32 v25, v3;
	v9 =	vmul.f32 v9, v3  }
0x11f: {  	v21 =	vld [tilespmem:s1+$0xFFFFFFD0];
	v12 =	vadd.f32 v15, v12;
	v15 =	vmul.f32 v18, v2;
	v24 =	vmul.f32 v24, v19  }
0x120: {  	v19 =	vld [tilespmem:s1+$0xFFFFFFE0];
	v9 =	vadd.f32 v9, v17;
	v25 =	vmul.f32 v26, v5;
	v22 =	vmul.f32 v22, v5  }
0x121: {  	v18 =	vld [tilespmem:s1+$0xFFFFFFF0];
	v11 =	vadd.f32 v15, v11;
	v15 =	vmul.f32 v24, v3;
	v16 =	vmul.f32 v23, v16  }
0x122: {  	v10 =	vmul.f32 v10, v7;
	v8 =	vmul.f32 v8, v7;
	v17 =	vld [tilespmem:s1+$0x0];
	v22 =	vadd.f32 v22, v25  }
0x123: {  	v23 =	vmul.f32 v13, v7;
	v9 =	vadd.f32 v15, v9;
	v15 =	vld [tilespmem:s1+$0x10];
	v24 =	vmul.f32 v16, v5  }
0x124: {  	v8 =	vadd.f32 v8, v10;
	v10 =	vsub.f32 $0.0e+00, v29;
	v13 =	vld [tilespmem:s1+$0x20]  }
0x125: {  	v25 =	vsub.f32 $0.0e+00, v14;
	v16 =	vld [tilespmem:s24+$0xFFFFFFC0];
	v26 =	vadd.f32 v24, v22  }
0x126: {  	v8 =	vadd.f32 v23, v8;
	v28 =	vmul.f32 $1.442695020e+00, v10;
	v14 =	vld [tilespmem:s24+$0xFFFFFFD0];
	v10 =	vsub.f32 $0.0e+00, v12  }
.Ltmp1:
0x127: {  	v22 =	vmul.f32 $1.442695020e+00, v25;
	v25 =	vsub.f32 $0.0e+00, v9;
	v23 =	vsub.f32 $0.0e+00, v11;
	v12 =	vld [tilespmem:s24+$0xFFFFFFE0];
	(pc) =	sbr.rel @p0 .LBB2_4-.Ltmp1, $4  }
0x128: {  	v29 =	vsub.f32 $0.0e+00, v26;
	v8 =	vsub.f32 $0.0e+00, v8;
	v24 =	vmul.f32 $1.442695020e+00, v10;
	v11 =	vld [tilespmem:s24+$0xFFFFFFF0]  }
0x129: {  	v26 =	vmul.f32 $1.442695020e+00, v25;
	v23 =	vmul.f32 $1.442695020e+00, v23;
	v9 =	vld [tilespmem:s24+$0x0]  }
0x12a: {  	v25 =	vmul.f32 $1.442695020e+00, v29;
	v27 =	vmul.f32 $1.442695020e+00, v8;
	v10 =	vld [tilespmem:s24+$0x10]  }
0x12b: {  	s15 =	sadd.s32 $0x80, s15;
	v8 =	vld [tilespmem:s24+$0x20];
	(erf) = vpow2.f32 v28  }
0x12c: {  	(erf) = vpow2.f32 v27;
	_ =	sdelay $0x2  }
0x12d: {  	(erf) = vpow2.f32 v22  }
0x12e: {  	(erf) = vpow2.f32 v24;
	_ =	sdelay $0x3  }
0x12f: {  	v36 =	vpop (erf)  }
0x130: {  	v37 =	vpop (erf);
	v39 =	vadd.f32 $1.000000000e-15, v36;
	v22 =	vsub.f32 $1.000000000e+00, v36  }
0x131: {  	(erf) = vpow2.f32 v23;
	v38 =	vsub.f32 $1.000000000e+00, v37;
	v24 =	vadd.f32 $1.000000000e-15, v37  }
0x132: {  	(erf) = vpow2.f32 v26;
	v21 =	vmul.f32 v39, v21;
	v22 =	vadd.f32 $1.000000000e-15, v22  }
0x133: {  	v40 =	vpop (erf);
	(erf) = vpow2.f32 v25;
	v20 =	vmul.f32 v24, v20;
	v23 =	vadd.f32 $1.000000000e-15, v38  }
0x134: {  	v41 =	vadd.f32 $1.000000000e-15, v40;
	v42 =	vpop (erf);
	v24 =	vsub.f32 $1.000000000e+00, v40;
	vm10 =	vge.f32 v22, v21  }
0x135: {  	v44 =	vadd.f32 $1.000000000e-15, v42;
	vm0 =	vge.f32 v23, v20;
	v21 =	vsel vm10, $0x3F800000, v0  }
0x136: {  	v46 =	vsub.f32 $1.000000000e+00, v42;
	v23 =	vsel vm0, $0x3F800000, v0;
	v48 =	vmul.f32 $2.000000030e-01, v21  }
0x137: {  	v19 =	vmul.f32 v41, v19;
	v45 =	vadd.f32 $1.000000000e-15, v24;
	v43 =	vmul.f32 $2.000000030e-01, v23  }
0x138: {  	v18 =	vmul.f32 v44, v18;
	v50 =	vadd.f32 $1.000000000e-15, v46;
	v14 =	vadd.f32 v48, v14  }
0x139: {  	v16 =	vadd.f32 v43, v16  }
0x13a: {  	v6 =	vsub.f32 v6, v21;
	vm11 =	vge.f32 v45, v19;
	vm12 =	vge.f32 v50, v18;
	[tilespmem:s24+$0xFFFFFFD0] =	vst v14  }
0x13b: {  	v7 =	vsub.f32 v7, v23;
	v47 =	vpop (erf);
	v19 =	vsel vm11, $0x3F800000, v0;
	v55 =	vsel vm12, $0x3F800000, v0;
	[tilespmem:s24+$0xFFFFFFC0] =	vst v16  }
0x13c: {  	v49 =	vadd.f32 $1.000000000e-15, v47;
	v51 =	vsub.f32 $1.000000000e+00, v47;
	v52 =	vpop (erf);
	v53 =	vmul.f32 $2.000000030e-01, v19;
	[tilespmem:s5+$0xFFFFFFD0] =	vst v6  }
0x13d: {  	v58 =	vmul.f32 $2.000000030e-01, v55;
	v54 =	vsub.f32 $1.000000000e+00, v52;
	v56 =	vadd.f32 $1.000000000e-15, v52;
	[tilespmem:s5+$0xFFFFFFC0] =	vst v7  }
0x13e: {  	v17 =	vmul.f32 v49, v17;
	v12 =	vadd.f32 v53, v12;
	v7 =	vadd.f32 $1.000000000e-15, v51;
	[tilespmem:s0+$0xFFFFFFD0] =	vst v21  }
0x13f: {  	v11 =	vadd.f32 v58, v11;
	v60 =	vadd.f32 $1.000000000e-15, v54;
	v6 =	vmul.f32 v56, v15;
	[tilespmem:s0+$0xFFFFFFC0] =	vst v23  }
0x140: {  	v4 =	vsub.f32 v4, v19;
	v1 =	vsub.f32 v1, v55;
	v57 =	vpop (erf);
	[tilespmem:s24+$0xFFFFFFE0] =	vst v12;
	vm13 =	vge.f32 v7, v17  }
0x141: {  	v59 =	vsub.f32 $1.000000000e+00, v57;
	[tilespmem:s2+$0xFFFFFFF0] =	vst v11;
	vm14 =	vge.f32 v60, v6;
	v7 =	vsel vm13, $0x3F800000, v0  }
0x142: {  	v61 =	vadd.f32 $1.000000000e-15, v57;
	[tilespmem:s5+$0xFFFFFFE0] =	vst v4;
	v6 =	vsel vm14, $0x3F800000, v0;
	v62 =	vmul.f32 $2.000000030e-01, v7  }
0x143: {  	[tilespmem:s5+$0xFFFFFFF0] =	vst v1;
	v1 =	vmul.f32 $2.000000030e-01, v6  }
0x144: {  	v63 =	vadd.f32 $1.000000000e-15, v59;
	v4 =	vmul.f32 v61, v13;
	[tilespmem:s0+$0xFFFFFFE0] =	vst v19;
	v9 =	vadd.f32 v62, v9  }
0x145: {  	[tilespmem:s0+$0xFFFFFFF0] =	vst v55;
	v1 =	vadd.f32 v1, v10  }
0x146: {  	v2 =	vsub.f32 v2, v7;
	vm15 =	vge.f32 v63, v4;
	[tilespmem:s2+$0x0] =	vst v9  }
0x147: {  	v3 =	vsub.f32 v3, v6;
	v4 =	vsel vm15, $0x3F800000, v0;
	[tilespmem:s2+$0x10] =	vst v1  }
0x148: {  	[tilespmem:s5+$0x0] =	vst v2;
	v2 =	vmul.f32 $2.000000030e-01, v4  }
0x149: {  	s22 =	sadd.s32 $0x1, s22;
	[tilespmem:s5+$0x10] =	vst v3  }
0x14a: {  	p0 =	sne.s32 s22, $0x4;
	[tilespmem:s0+$0x0] =	vst v7;
	v1 =	vadd.f32 v2, v8  }
.Ltmp2:
0x14b: {  	[tilespmem:s6+$0x10] =	vst v6;
	v2 =	vsub.f32 v5, v4;
	(pc) =	sbr.rel @p0 .LBB2_3-.Ltmp2, $4  }
0x14c: {  	[tilespmem:s2+$0x20] =	vst v1  }
0x14d: {  	[tilespmem:s5+$0x20] =	vst v2  }
0x14e: {  	s31 =	sadd.s32 s8, s23;
	[tilespmem:s6+$0x20] =	vst v4  }
0x14f: {  	[hbm4b:s31+s9] =	stream.linear.scatter [tilespmem:s10], [sflag:$0x3], $0x1900, $0x38;
	[tilespmem:$0x199E0] =	vst v63  }
0x150: {  	s0 =	simm.s32 $0x3  }
0x151: {  	_ =	swait.ge [sflag:s0], $0x1900  }
0x152: {  	s2 =	rddreg [dreg:$0x3]  }
0x153: {  	s28 =	simm.s32 $0x0;
	[sflag:s0] =	ssyncset.done $0x0;
	s1 =	rddreg [dreg:$0x5]  }
0x154: {  	s29 =	simm.s32 $0x4;
	s1 =	sadd.s32 s1, s2;
	[sflag:s0] =	ssyncadd.s32 $0xFFFFE700  }
0x155: {  	[hbm4b:s1+s28] =	stream.linear.scatter [tilespmem:s28], [sflag:$0x4], $0x1900, $0x38;
	[tilespmem:$0x199E0] =	vst v63  }
0x156: {  	_ =	swait.ge [sflag:s29], $0x1900  }
0x157: {  	[sflag:s29] =	ssyncset.done $0x0;
	s3 =	rddreg [dreg:$0x4]  }
0x158: {  	s30 =	simm.s32 $0x1900;
	s2 =	sadd.s32 s3, s2;
	[sflag:s29] =	ssyncadd.s32 $0xFFFFE700  }
0x159: {  	[hbm4b:s2+s28] =	stream.linear.scatter [tilespmem:s30], [sflag:$0x4], $0x1900, $0x38;
	[tilespmem:$0x199E0] =	vst v63  }
0x15a: {  	_ =	swait.ge [sflag:s29], $0x1900  }
0x15b: {  	[sflag:s29] =	ssyncset.done $0x0  }
0x15c: {  	[sflag:s29] =	ssyncadd.s32 $0xFFFFE700  }
0x15d: {  	_ =	sfence.sel $0x180000  }
0x15e: {  	[bflag:$0x0] =	sbarrier.arrive $0xFFFF  }
0x15f: {  	_ =	strace $0x90000047  }
0x160: {  	s31 =	stileid.u32;
	[bflag:$0x2] =	sbarrier.arrive $0xFFFF  }
0x161: {  	p0 =	sne.s32 s31, $0x0;
	s0 =	rddreg [dreg:$0x2]  }
0x162: {  	s0 =	sadd.s32 @!p0 $0x100000, s0  }
0x163: {  	[sflag:s0] =	ssyncadd.tile.s32 @!p0 $0x1;
	_ =	shalt  }
.Lfunc_end2:
_tile_overlayer_lowered:
.L_overlay_start_2:
0x164: {  	(tag) =	ssettag $0x2  }
0x165: {  	s0 =	rddreg [dreg:$0x0];
	s2 =	stileid.u32  }
0x166: {  	s1 =	rddreg [dreg:$0x1];
	p0 =	sne.s32 s2, $0x0  }
0x167: {  	s3 =	rddreg [dreg:$0x2];
	[bflag:$0x3] =	sbarrier.arrive $0xFFFF;
	s2 =	simm.s32 @!p0 $0x1C04  }
0x168: {  	[timem:s3], [sflag:s2] =	dma.local @!p0 [hbm:s0], s1  }
0x169: {  	s0 =	simm.s32 @!p0 $0x4  }
0x16a: {  	_ =	swait.ge @!p0 [sflag:s0], s1  }
0x16b: {  	s1 =	ssub.s32 @!p0 $0x0, s1;
	[sflag:s0] =	ssyncset.done @!p0 $0x0  }
0x16c: {  	[sflag:s0] =	ssyncadd.s32 @!p0 s1  }
0x16d: {  	[bflag:$0x3] =	sbarrier.arrive $0xFFFF  }
0x16e: {  	_ =	shalt  }

// kernel: kernel.7.cloned.1.call-start
scs
__scs_entry_jumppad:
0x0: {  	(pc) =	sbr.rel $0x88, $3  }
0x1: {  	(tag) =	ssettag $0x0;
	lr =	simm.s32 $0x1  }
0x2: {  	[smem:$0x3F97] =	sst lr;
	_ =	strace $0xD0000000  }
0x3: {  	_ = 	snop  }
0x4: {  	_ = 	snop  }
0x5: {  	_ = 	snop  }
0x6: {  	_ = 	snop  }
0x7: {  	_ = 	snop  }
__scs_overlays_trampoline_lowered:
0x8: {  	[smem:$0x3FA6] =	sst s0  }
0x9: {  	[smem:$0x3FA7] =	sst s1  }
0xa: {  	[smem:$0x3FA8] =	sst s2  }
0xb: {  	[smem:$0x3FA9] =	sst s3  }
0xc: {  	[smem:$0x3FAA] =	sst s4  }
0xd: {  	[smem:$0x3FAB] =	sst s5  }
0xe: {  	[smem:$0x3FAC] =	sst s6  }
0xf: {  	[smem:$0x3FAD] =	sst s7  }
0x10: {  	[smem:$0x3FAE] =	sst s8  }
0x11: {  	[smem:$0x3FAF] =	sst s9;
	s0 =	simm.s32 @!p0 $0x0  }
0x12: {  	s1 =	sld [smem:$0x3F95];
	s0 =	simm.s32 @p0 $0x1  }
0x13: {  	[smem:$0x3FB0] =	sst s0;
	s0 =	simm.s32 @!p1 $0x0  }
0x14: {  	s2 =	sld [smem:$0x3F94];
	s0 =	simm.s32 @p1 $0x1  }
0x15: {  	[smem:$0x3FB1] =	sst s0;
	s0 =	simm.s32 @!p2 $0x0  }
0x16: {  	s3 =	sld [smem:$0x3FDB];
	s0 =	simm.s32 @p2 $0x1  }
0x17: {  	s4 =	simm.s32 $0x1BF5;
	[smem:$0x3FB3] =	sst s0  }
0x18: {  	s0 =	sld [smem:$0x3F96];
	_ =	swait.ge [sflag:s4], $0x0  }
0x19: {  	s7 =	sld [smem:$0x3F97]  }
0x1a: {  	s8 =	sadd.s32 $0xFFFFE003, lr  }
0x1b: {  	s9 =	sadd.s32 $0xFFFFFEF7, lr;
	s5 =	simm.s32 $0xFFFFFFFF;
	p2 =	slt.u32 s8, $0xFFFFF086  }
0x1c: {  	p1 =	slt.u32 s9, $0xF7A;
	s5 =	simm.s32 @!p2 $0x0  }
0x1d: {  	s5 =	simm.s32 @p1 $0x1;
	p0 =	seq.s32 s7, s2  }
0x1e: {  	s7 =	smul.u32 @!p0 $0xF7A, s2;
	p2 =	seq.s32 @!p0 s5, $0x0  }
0x1f: {  	s9 =	smul.u32 $0xF7A, s1;
	s8 =	simm.s32 @!p0 $0x1BF5;
	p2 =	por !p2, p0  }
0x20: {  	[sflag:s8] =	ssyncset.s32 @!p0 $0xFFFFF086;
	s6 =	sadd.s32 @!p0 s3, s7;
	s7 =	simm.s32 @!p0 $0x108  }
0x21: {  	s3 =	sadd.s32 s3, s9;
	s6 =	sadd.s32 @!p0 $0x88, s6;
	s7 =	simm.s32 @p2 $0x1082  }
0x22: {  	[simem:s7], [sflag:s8] =	dma.local @!p0 [hbm:s6], $0xF7A  }
0x23: {  	s9 =	sor.u32 $0xD0000000, s2;
	s6 =	simm.s32 $0x108;
	_ =	swait.ge @!p0 [sflag:s8], $0x0  }
0x24: {  	s3 =	sadd.s32 $0x88, s3;
	s6 =	simm.s32 @!p1 $0x1082;
	[sflag:s4] =	ssyncset.s32 $0xFFFFF086  }
0x25: {  	[simem:s6], [sflag:s4] =	dma.local [hbm:s3], $0xF7A  }
0x26: {  	[smem:$0x3F97] =	sst s1;
	(tag) =	ssettag s2;
	_ =	strace s9  }
0x27: {  	s1 =	sld [smem:$0x3FA7]  }
0x28: {  	s2 =	sld [smem:$0x3FA8]  }
0x29: {  	s4 =	sld [smem:$0x3FAA]  }
0x2a: {  	p0 =	seq.s32 s5, $0x0;
	s5 =	sld [smem:$0x3FAB]  }
0x2b: {  	s6 =	sld [smem:$0x3FAC]  }
0x2c: {  	s7 =	sld [smem:$0x3FAD]  }
0x2d: {  	s3 =	simm.s32 $0x108;
	s8 =	sld [smem:$0x3FAE]  }
0x2e: {  	s3 =	simm.s32 @!p0 $0x1082;
	s9 =	sld [smem:$0x3FAF]  }
0x2f: {  	lr =	sadd.s32 s0, s3;
	s0 =	sld [smem:$0x3FA6]  }
0x30: {  	s3 =	sld [smem:$0x3FA9]  }
0x31: {  	[smem:$0x3FB2] =	sst s10  }
0x32: {  	s10 =	sld [smem:$0x3FB0];
	_ =	sdelay $0x3  }
0x33: {  	p0 =	seq.s32 s10, $0x1;
	s10 =	sld [smem:$0x3FB2];
	_ =	sdelay $0x3  }
0x34: {  	[smem:$0x3FB2] =	sst s10  }
0x35: {  	s10 =	sld [smem:$0x3FB1];
	_ =	sdelay $0x3  }
0x36: {  	p1 =	seq.s32 s10, $0x1;
	s10 =	sld [smem:$0x3FB2];
	_ =	sdelay $0x3  }
0x37: {  	[smem:$0x3FB2] =	sst s10  }
0x38: {  	s10 =	sld [smem:$0x3FB3]  }
0x39: {  	_ = 	snop;
	(pc) =	sbr.ind lr, $3  }
0x3a: {  	_ = 	snop  }
0x3b: {  	_ = 	snop  }
0x3c: {  	p2 =	seq.s32 s10, $0x1;
	s10 =	sld [smem:$0x3FB2]  }
0x3d: {  	_ =	shalt  }
0x3e: {  	_ =	shalt  }
0x3f: {  	_ =	shalt  }
0x40: {  	_ =	shalt  }
0x41: {  	_ =	shalt  }
0x42: {  	_ =	shalt  }
0x43: {  	_ =	shalt  }
0x44: {  	_ =	shalt  }
0x45: {  	_ =	shalt  }
0x46: {  	_ =	shalt  }
0x47: {  	_ =	shalt  }
0x48: {  	_ =	shalt  }
0x49: {  	_ =	shalt  }
0x4a: {  	_ =	shalt  }
0x4b: {  	_ =	shalt  }
0x4c: {  	_ =	shalt  }
0x4d: {  	_ =	shalt  }
0x4e: {  	_ =	shalt  }
0x4f: {  	_ =	shalt  }
0x50: {  	_ =	shalt  }
0x51: {  	_ =	shalt  }
0x52: {  	_ =	shalt  }
0x53: {  	_ =	shalt  }
0x54: {  	_ =	shalt  }
0x55: {  	_ =	shalt  }
0x56: {  	_ =	shalt  }
0x57: {  	_ =	shalt  }
0x58: {  	_ =	shalt  }
0x59: {  	_ =	shalt  }
0x5a: {  	_ =	shalt  }
0x5b: {  	_ =	shalt  }
0x5c: {  	_ =	shalt  }
0x5d: {  	_ =	shalt  }
0x5e: {  	_ =	shalt  }
0x5f: {  	_ =	shalt  }
0x60: {  	_ =	shalt  }
0x61: {  	_ =	shalt  }
0x62: {  	_ =	shalt  }
0x63: {  	_ =	shalt  }
0x64: {  	_ =	shalt  }
0x65: {  	_ =	shalt  }
0x66: {  	_ =	shalt  }
0x67: {  	_ =	shalt  }
0x68: {  	_ =	shalt  }
0x69: {  	_ =	shalt  }
0x6a: {  	_ =	shalt  }
0x6b: {  	_ =	shalt  }
0x6c: {  	_ =	shalt  }
0x6d: {  	_ =	shalt  }
0x6e: {  	_ =	shalt  }
0x6f: {  	_ =	shalt  }
0x70: {  	_ =	shalt  }
0x71: {  	_ =	shalt  }
0x72: {  	_ =	shalt  }
0x73: {  	_ =	shalt  }
0x74: {  	_ =	shalt  }
0x75: {  	_ =	shalt  }
0x76: {  	_ =	shalt  }
0x77: {  	_ =	shalt  }
0x78: {  	_ =	shalt  }
0x79: {  	_ =	shalt  }
0x7a: {  	_ =	shalt  }
0x7b: {  	_ =	shalt  }
0x7c: {  	_ =	shalt  }
0x7d: {  	_ =	shalt  }
0x7e: {  	_ =	shalt  }
0x7f: {  	_ =	shalt  }
0x80: {  	_ =	shalt  }
0x81: {  	_ =	shalt  }
0x82: {  	_ =	shalt  }
0x83: {  	_ =	shalt  }
0x84: {  	_ =	shalt  }
0x85: {  	_ =	shalt  }
0x86: {  	_ =	shalt  }
0x87: {  	_ =	shalt  }
.Lfunc_end0:
.L_simem_size_0:
called_computation.1_lowered:
.L_overlay_start_0:
0x88: {  	s0 =	sld [smem:$0x3FD9]  }
0x89: {  	s1 =	sld [smem:$0x3FFE];
	_ =	sdelay $0x3  }
0x8a: {  	s0 =	sadd.s32 s1, s0  }
0x8b: {  	[smem:$0x3FBE] =	sst s0  }
0x8c: {  	_ = 	snop  }
0x8d: {  	s0 =	sld [smem:$0x3FD0];
	(tm) =	ssettm $0x1  }
0x8e: {  	s16 =	sld [smem:$0x3FFB];
	_ =	sdelay $0x3  }
0x8f: {  	_ =	strace s16  }
0x90: {  	s1 =	sld [smem:$0x3FFC];
	_ =	sdelay $0x3  }
0x91: {  	_ =	strace s1  }
0x92: {  	s1 =	sld [smem:$0x3FFD];
	_ =	sdelay $0x3  }
0x93: {  	_ =	strace s1  }
0x94: {  	_ =	strace $0x8FFFFFFF  }
0x95: {  	s17 =	sld [smem:$0x3FDB];
	_ =	sdelay $0x1  }
0x96: {  	s2 =	simm.s32 $_scs_section_size  }
0x97: {  	s3 =	simm.s32 $_size__tile_overlayer_lowered;
	s4 =	simm.s32 $_tile_overlayer_lowered  }
0x98: {  	s20 =	simm.s32 $0x1BFF;
	s19 =	sshll.u32 s4, $0x1;
	s1 =	sadd.s32 s2, s17  }
0x99: {  	s5 =	simm.s32 $0x0;
	s18 =	sshll.u32 s3, $0x1;
	s3 =	sadd.s32 s19, s1  }
0x9a: {  	[timem:s5], [sflag:s20] =	dma.local [hbm:s3], s18  }
0x9b: {  	_ =	swait.ge [sflag:s20], s18  }
0x9c: {  	s2 =	ssub.s32 $0x0, s18;
	[sflag:s20] =	ssyncset.done $0x0  }
0x9d: {  	[sflag:s20] =	ssyncadd.s32 s2;
	_ =	sdelay $0x1  }
0x9e: {  	s21 =	simm.s32 $0x1B8B  }
0x9f: {  	_ =	swait.ge [sflag:s21], $0x1  }
0xa0: {  	[sflag:s21] =	ssyncset.done $0x0  }
0xa1: {  	s23 =	simm.s32 $0x1B8E;
	s22 =	sld [smem:$0x3FFE];
	[sflag:s21] =	ssyncadd.s32 $0xFFFFFFFF  }
0xa2: {  	s24 =	simm.s32 $execute0_lowered;
	[smem:$0x3FD2] =	sst s23  }
0xa3: {  	s3 =	sshll.u32 s24, $0x1;
	_ =	strace $0x80000049;
	[dreg:$0x1] =	wrdreg $0xFFFFFFFF  }
0xa4: {  	s25 =	simm.s32 $_size_execute0_lowered;
	s1 =	sadd.s32 s1, s3;
	[dreg:$0x0] =	wrdreg $0x0  }
0xa5: {  	s3 =	sshll.u32 s25, $0x1;
	[dreg:$0x2] =	wrdreg s1  }
0xa6: {  	[dreg:$0x3] =	wrdreg s3  }
0xa7: {  	[dreg:$0x4] =	wrdreg $0xC0  }
0xa8: {  	_ =	task [dreg:s5], $0x5FFFF  }
0xa9: {  	[dreg:$0x1] =	wrdreg $0xFFFFFFFF  }
0xaa: {  	[dreg:$0x0] =	wrdreg $0x60  }
0xab: {  	[dreg:$0x2] =	wrdreg s22  }
0xac: {  	[dreg:$0x3] =	wrdreg s0  }
0xad: {  	[dreg:$0x4] =	wrdreg $0x191000  }
0xae: {  	[dreg:$0x5] =	wrdreg $0x9  }
0xaf: {  	_ =	task.clear_ibuf [dreg:s5], $0x6FFFF;
	_ =	strace $0x90000049  }
0xb0: {  	s26 =	simm.s32 $0x9;
	_ =	strace $0x8000004B  }
0xb1: {  	_ =	swait.ge [sflag:s26], $0x1  }
0xb2: {  	[sflag:s26] =	ssyncadd.s32 $0xFFFFFFFF  }
0xb3: {  	_ =	strace $0x9000004B  }
0xb4: {  	_ =	sfence  }
0xb5: {  	s28 =	sld [smem:$0x0];
	_ =	sdelay $0x1  }
0xb6: {  	s29 =	srdreg.scid  }
0xb7: {  	s30 =	sshll.u32 s29, $0xD;
	s31 =	sshrl.u32 s29, $0x2  }
0xb8: {  	s2 =	sand.u32 $0x4000, s30;
	s1 =	sand.u32 $0x1, s29;
	s0 =	sadd.s32 s31, s28  }
0xb9: {  	s1 =	sor.u32 s2, s1;
	s0 =	sshll.u32 s0, $0x11  }
0xba: {  	s0 =	sor.u32 s0, s1  }
0xbb: {  	s0 =	sadd.s32 $0x8F2B, s0  }
0xbc: {  	[sflag:s0] =	ssyncadd.remote.s32 $0x1  }
0xbd: {  	_ =	sfence.sel $0xFFFF  }
0xbe: {  	[dreg:$0x0] =	wrdreg $0xFFFFFFFF;
	(pc) =	sbr.abs _section_cstart, $3  }
0xbf: {  	[dreg:$0x1] =	wrdreg $0xFFFFFFFF  }
0xc0: {  	_ =	task.clear_ibuf [dreg:s5], $0x2FFFF;
	_ =	strace $0x9FFFFFFF  }
0xc1: {  	(tm) =	ssettm $0x7FFFFFFF  }
tec
execute0_lowered:
.L_overlay_start_1:
0x0: {  	(tag) =	ssettag $0x1  }
0x1: {  	s11 =	stileid.u32  }
0x2: {  	s4 =	smul.u32 $0x1900, s11  }
0x3: {  	s3 =	rddreg [dreg:$0x0]  }
0x4: {  	s5 =	rddreg [dreg:$0x2];
	s1 =	simm.s32 $0x0;
	s12 =	sshrl.u32 s4, $0x3  }
0x5: {  	[smem:$0x7FF] =	sst s1;
	s6 =	sadd.s32 s12, s3  }
0x6: {  	s7 =	simm.s32 $0x4;
	_ =	strace $0x8000004A;
	s0 =	sadd.s32 $0x2C600, s6  }
0x7: {  	[tilespmem:s1], [sflag:$0x4] =	stream.linear.gather [hbm4b:s0+s1], $0x1900, $0x38;
	[tilespmem:$0x199E0] =	vst v63  }
0x8: {  	_ =	swait.ge [sflag:s7], $0x1900  }
0x9: {  	[sflag:s7] =	ssyncset.done $0x0  }
0xa: {  	s2 =	simm.s32 $0x1900;
	s25 =	sadd.s32 $0x2F800, s6;
	[sflag:s7] =	ssyncadd.s32 $0xFFFFE700  }
0xb: {  	[tilespmem:s2], [sflag:$0x4] =	stream.linear.gather [hbm4b:s25+s1], $0x1900, $0x38;
	[tilespmem:$0x199E0] =	vst v63  }
0xc: {  	_ =	swait.ge [sflag:s7], $0x1900  }
0xd: {  	[sflag:s7] =	ssyncset.done $0x0  }
0xe: {  	s28 =	simm.s32 $0x3200;
	s26 =	sadd.s32 $0x8E00, s6;
	[sflag:s7] =	ssyncadd.s32 $0xFFFFE700  }
0xf: {  	[tilespmem:s28], [sflag:$0x4] =	stream.linear.gather [hbm4b:s26+s1], $0x1900, $0x38;
	[tilespmem:$0x199E0] =	vst v63  }
0x10: {  	_ =	swait.ge [sflag:s7], $0x1900  }
0x11: {  	[sflag:s7] =	ssyncset.done $0x0  }
0x12: {  	s30 =	simm.s32 $0x4B00;
	s29 =	sadd.s32 $0x2A00, s6;
	[sflag:s7] =	ssyncadd.s32 $0xFFFFE700  }
0x13: {  	[tilespmem:s30], [sflag:$0x4] =	stream.linear.gather [hbm4b:s29+s1], $0x1900, $0x38;
	[tilespmem:$0x199E0] =	vst v63  }
0x14: {  	_ =	swait.ge [sflag:s7], $0x1900  }
0x15: {  	s8 =	simm.s32 $0x6400;
	[sflag:s7] =	ssyncset.done $0x0  }
0x16: {  	s31 =	sadd.s32 $0xC000, s3;
	s6 =	sadd.s32 $0x5C00, s6;
	[sflag:s7] =	ssyncadd.s32 $0xFFFFE700  }
0x17: {  	[tilespmem:s8], [sflag:$0x4] =	stream.linear.gather [hbm4b:s6+s1], $0x1900, $0x38;
	[tilespmem:$0x199E0] =	vst v63  }
0x18: {  	s0 =	sadd.s32 $0x35C00, s3;
	s2 =	sadd.s32 $0x32A00, s3;
	s1 =	sadd.s32 $0x38E00, s3  }
0x19: {  	s8 =	sadd.s32 $0x3C000, s3;
	s3 =	sadd.s32 $0xF200, s3;
	_ =	swait.ge [sflag:s7], $0x1900  }
0x1a: {  	s6 =	simm.s32 $0x0;
	[dreg:$0x6] =	wrdreg s31;
	[sflag:s7] =	ssyncset.done $0x0  }
0x1b: {  	v0 =	vimm.f32 $0.0e+00;
	[dreg:$0x5] =	wrdreg s3;
	s3 =	simm.s32 $0x40;
	[sflag:s7] =	ssyncadd.s32 $0xFFFFE700  }
.LBB2_1:
0x1c: {  	p0 =	sne.s32 s3, $0x2340;
	[tilespmem:s6+$0x18800] =	vst v0;
	s6 =	smov.u32 s3;
	s3 =	sadd.s32 $0x40, s3  }
.Ltmp0:
0x1d: {  	(pc) =	sbr.rel @p0 .LBB2_1-.Ltmp0, $2  }
0x1e: {  	_ =	sdelay $0x2  }
0x1f: {  	s6 =	sshra.s32 s6, $0x2  }
0x20: {  	s2 =	sadd.s32 s2, s12  }
0x21: {  	[tilespmem:s6+$0x18800] =	vst v0;
	s9 =	simm.s32 $0x0;
	s3 =	simm.s32 $0x7D00;
	s10 =	simm.s32 $0x4  }
0x22: {  	[tilespmem:s3], [sflag:$0x4] =	stream.linear.gather [hbm4b:s2+s9], $0x1900, $0x38;
	[tilespmem:$0x199E0] =	vst v63  }
0x23: {  	_ =	swait.ge [sflag:s10], $0x1900  }
0x24: {  	[sflag:s10] =	ssyncset.done $0x0  }
0x25: {  	s0 =	sadd.s32 s0, s12;
	s26 =	simm.s32 $0x9600;
	[sflag:s10] =	ssyncadd.s32 $0xFFFFE700  }
0x26: {  	[tilespmem:s26], [sflag:$0x4] =	stream.linear.gather [hbm4b:s0+s9], $0x1900, $0x38;
	[tilespmem:$0x199E0] =	vst v63  }
0x27: {  	_ =	swait.ge [sflag:s10], $0x1900  }
0x28: {  	s28 =	sadd.s32 s1, s12;
	s29 =	smul.u32 $0x2380, s11;
	[sflag:s10] =	ssyncset.done $0x0  }
0x29: {  	s30 =	simm.s32 $0xAF00;
	[dreg:$0x4] =	wrdreg s12;
	[sflag:s10] =	ssyncadd.s32 $0xFFFFE700  }
0x2a: {  	[tilespmem:s30], [sflag:$0x4] =	stream.linear.gather [hbm4b:s28+s9], $0x1900, $0x38;
	[tilespmem:$0x199E0] =	vst v63  }
0x2b: {  	s14 =	simm.s32 $0x1900;
	s15 =	simm.s32 $0x3200;
	_ =	swait.ge [sflag:s10], $0x1900  }
0x2c: {  	s16 =	simm.s32 $0x4B00;
	s31 =	sshrl.u32 s29, $0x2;
	[sflag:s10] =	ssyncset.done $0x0  }
0x2d: {  	s11 =	sadd.s32 s31, s5;
	s12 =	simm.s32 $0x18800;
	[sflag:s10] =	ssyncadd.s32 $0xFFFFE700  }
0x2e: {  	[spmem:s11] =	stream.linear.scatter [tilespmem:s12], [sflag:$0x4], $0x8E0, $0x38;
	[tilespmem:$0x199E0] =	vst v63  }
0x2f: {  	s17 =	simm.s32 $0x6400;
	s18 =	simm.s32 $0x1;
	_ =	swait.ge [sflag:s10], $0x8E0  }
0x30: {  	s19 =	simm.s32 $0xC800;
	s20 =	simm.s32 $0x2;
	[sflag:s10] =	ssyncset.done $0x0  }
0x31: {  	v0 =	vimm.f32 $0.0e+00;
	s21 =	simm.s32 $0x16F00;
	s22 =	simm.s32 $0x0;
	[sflag:s10] =	ssyncadd.s32 $0xFFFFF720  }
.LBB2_3:
0x32: {  	s0 =	smul.u32 $0x19000, s22;
	_ =	sdelay $0x1  }
0x33: {  	s0 =	sadd.s32 s4, s0  }
0x34: {  	s13 =	rddreg [dreg:$0x1];
	s23 =	sshrl.u32 s0, $0x3  }
0x35: {  	s1 =	simm.s32 $0x15600;
	s0 =	sadd.s32 s13, s23  }
0x36: {  	[tilespmem:s1], [sflag:$0x2] =	stream.linear.gather [hbm4b:s0+s9], $0x1900, $0x38;
	[tilespmem:$0x199E0] =	vst v63  }
0x37: {  	[bflag:$0x0] =	sbarrier.arrive $0xFFFF  }
0x38: {  	[spmem:s5] =	stream.indirect.scatter.add.f32 [tilespmem:s9], [sflag:$0x1], $0x1, s15, s14, $0xb8;
	[tilespmem:$0x199E0] =	vst v63  }
0x39: {  	_ = 	snop  }
0x3a: {  	[spmem:s5] =	stream.indirect.scatter.add.f32 [tilespmem:s9], [sflag:$0x1], $0x1, s16, s14, $0xb8;
	[tilespmem:$0x199E0] =	vst v63  }
0x3b: {  	_ = 	snop  }
0x3c: {  	[spmem:s5] =	stream.indirect.scatter.add.f32 [tilespmem:s9], [sflag:$0x1], $0x1, s17, s14, $0xb8;
	[tilespmem:$0x199E0] =	vst v63  }
0x3d: {  	_ =	swait.ge [sflag:s18], $0x1900  }
0x3e: {  	[sflag:s18] =	ssyncset.done $0x0  }
0x3f: {  	[sflag:s18] =	ssyncadd.s32 $0xFFFFE700  }
0x40: {  	_ =	swait.ge [sflag:s18], $0x1900  }
0x41: {  	[sflag:s18] =	ssyncset.done $0x0  }
0x42: {  	[sflag:s18] =	ssyncadd.s32 $0xFFFFE700  }
0x43: {  	_ =	swait.ge [sflag:s18], $0x1900  }
0x44: {  	[sflag:s18] =	ssyncset.done $0x0  }
0x45: {  	[sflag:s18] =	ssyncadd.s32 $0xFFFFE700  }
0x46: {  	[bflag:$0x0] =	sbarrier.arrive $0xFFFF  }
0x47: {  	[tilespmem:s19], [sflag:$0x4] =	stream.linear.gather [spmem:s5], $0x8E00, $0x38;
	[tilespmem:$0x199E0] =	vst v63  }
0x48: {  	_ =	swait.ge [sflag:s10], $0x8E00  }
0x49: {  	[sflag:s10] =	ssyncset.done $0x0  }
0x4a: {  	[sflag:s10] =	ssyncadd.s32 $0xFFFF7200  }
0x4b: {  	[bflag:$0x0] =	sbarrier.arrive $0xFFFF  }
0x4c: {  	[spmem:s11] =	stream.linear.scatter [tilespmem:s12], [sflag:$0x4], $0x8E0, $0x38;
	[tilespmem:$0x199E0] =	vst v63  }
0x4d: {  	_ =	swait.ge [sflag:s10], $0x8E0  }
0x4e: {  	[sflag:s10] =	ssyncset.done $0x0  }
0x4f: {  	[sflag:s10] =	ssyncadd.s32 $0xFFFFF720  }
0x50: {  	_ =	swait.ge [sflag:s20], $0x1900  }
0x51: {  	p0 =	seq.s32 s22, $0x0;
	[sflag:s20] =	ssyncset.done $0x0  }
0x52: {  	s0 =	simm.s32 @!p0 $0x3;
	[sflag:s20] =	ssyncadd.s32 $0xFFFFE700  }
0x53: {  	_ =	swait.ge @!p0 [sflag:s0], $0x1900  }
0x54: {  	[sflag:s0] =	ssyncset.done @!p0 $0x0  }
0x55: {  	s24 =	simm.s32 $0x3240;
	[sflag:s0] =	ssyncadd.s32 @!p0 $0xFFFFE700  }
0x56: {  	s25 =	simm.s32 $0x4B40;
	v1 =	vld [tilespmem:s24+$0x30]  }
0x57: {  	s26 =	simm.s32 $0x6440;
	v2 =	vld [tilespmem:s25+$0x30]  }
0x58: {  	v3 =	vld [tilespmem:s26+$0x30]  }
0x59: {  	v4 =	vld [tilespmem:s24+$0xFFFFFFC0]  }
0x5a: {  	v5 =	vld [tilespmem:s25+$0xFFFFFFC0]  }
0x5b: {  	s28 =	simm.s32 $0x7D40;
	v6 =	vld [tilespmem:s24+$0xFFFFFFD0]  }
0x5c: {  	s29 =	simm.s32 $0x9640;
	v7 =	vld [tilespmem:s28+$0x30]  }
0x5d: {  	s30 =	simm.s32 $0xAF40;
	v9 =	vld [tilespmem:s29+$0x30]  }
0x5e: {  	s31 =	simm.s32 $0x1940;
	v10 =	vld [tilespmem:s30+$0x30]  }
0x5f: {  	v8 =	vld [tilespmem:s31+$0x30]  }
0x60: {  	v11 =	vld [tilespmem:s25+$0xFFFFFFD0]  }
0x61: {  	v12 =	vld [tilespmem:s24+$0xFFFFFFE0]  }
0x62: {  	v13 =	vld [tilespmem:s25+$0xFFFFFFE0]  }
0x63: {  	v14 =	vld [tilespmem:s24+$0xFFFFFFF0]  }
0x64: {  	v15 =	vld [tilespmem:s25+$0xFFFFFFF0]  }
0x65: {  	v16 =	vld [tilespmem:s24+$0x0]  }
0x66: {  	v17 =	vld [tilespmem:s25+$0x0]  }
0x67: {  	v18 =	vld [tilespmem:s24+$0x10]  }
0x68: {  	v19 =	vld [tilespmem:s25+$0x10]  }
0x69: {  	v20 =	vld [tilespmem:s24+$0x20]  }
0x6a: {  	v21 =	vld [tilespmem:s25+$0x20]  }
0x6b: {  	v22 =	vld [tilespmem:s26+$0xFFFFFFC0]  }
0x6c: {  	v23 =	vld [tilespmem:s26+$0xFFFFFFD0]  }
0x6d: {  	v24 =	vld [tilespmem:s26+$0xFFFFFFE0]  }
0x6e: {  	v25 =	vld [tilespmem:s26+$0xFFFFFFF0]  }
0x6f: {  	v26 =	vld [tilespmem:s26+$0x0]  }
0x70: {  	v27 =	vld [tilespmem:s26+$0x10]  }
0x71: {  	s1 =	simm.s32 $0x15640;
	v28 =	vld [tilespmem:s26+$0x20]  }
0x72: {  	v29 =	vld [tilespmem:s1+$0x30]  }
0x73: {  	v31 =	vld [tilespmem:s29+$0xFFFFFFE0]  }
0x74: {  	v32 =	vld [tilespmem:s28+$0xFFFFFFF0]  }
0x75: {  	v33 =	vld [tilespmem:s28+$0x0]  }
0x76: {  	v34 =	vld [tilespmem:s29+$0x0]  }
0x77: {  	v35 =	vld [tilespmem:s28+$0x10]  }
0x78: {  	v36 =	vld [tilespmem:s29+$0x10]  }
0x79: {  	v37 =	vld [tilespmem:s28+$0x20]  }
0x7a: {  	v38 =	vld [tilespmem:s29+$0x20]  }
0x7b: {  	v61 =	vld [tilespmem:s30+$0xFFFFFFF0]  }
0x7c: {  	s24 =	simm.s32 $0x40;
	v62 =	vld [tilespmem:s30+$0x20]  }
0x7d: {  	v30 =	vld [tilespmem:s24+$0x30]  }
0x7e: {  	v1 =	vld.idx.msk [tilespmem:v1+s19+$0x0], $0xffff  }
0x7f: {  	v2 =	vld.idx.msk [tilespmem:v2+s19+$0x0], $0xffff  }
0x80: {  	v3 =	vld.idx.msk [tilespmem:v3+s19+$0x0], $0xffff  }
0x81: {  	v4 =	vld.idx.msk [tilespmem:v4+s19+$0x0], $0xffff  }
0x82: {  	v5 =	vld.idx.msk [tilespmem:v5+s19+$0x0], $0xffff  }
0x83: {  	v6 =	vld.idx.msk [tilespmem:v6+s19+$0x0], $0xffff  }
0x84: {  	v11 =	vld.idx.msk [tilespmem:v11+s19+$0x0], $0xffff  }
0x85: {  	v12 =	vld.idx.msk [tilespmem:v12+s19+$0x0], $0xffff;
	v1 =	vmul.f32 v7, v1;
	v2 =	vmul.f32 v9, v2  }
0x86: {  	v13 =	vld.idx.msk [tilespmem:v13+s19+$0x0], $0xffff;
	v3 =	vmul.f32 v10, v3  }
0x87: {  	v14 =	vld.idx.msk [tilespmem:v14+s19+$0x0], $0xffff;
	v1 =	vmul.f32 v1, v8;
	v2 =	vmul.f32 v2, v8  }
0x88: {  	v15 =	vld.idx.msk [tilespmem:v15+s19+$0x0], $0xffff  }
0x89: {  	v16 =	vld.idx.msk [tilespmem:v16+s19+$0x0], $0xffff;
	v3 =	vmul.f32 v3, v8;
	v1 =	vadd.f32 v2, v1  }
0x8a: {  	v22 =	vld.idx.msk [tilespmem:v22+s19+$0x0], $0xffff  }
0x8b: {  	v23 =	vld.idx.msk [tilespmem:v23+s19+$0x0], $0xffff;
	v1 =	vadd.f32 v3, v1  }
0x8c: {  	v7 =	vld.idx.msk [tilespmem:v17+s19+$0x0], $0xffff  }
0x8d: {  	v9 =	vld.idx.msk [tilespmem:v18+s19+$0x0], $0xffff;
	v1 =	vsub.f32 $0.0e+00, v1  }
0x8e: {  	v10 =	vld.idx.msk [tilespmem:v19+s19+$0x0], $0xffff  }
0x8f: {  	v17 =	vld.idx.msk [tilespmem:v20+s19+$0x0], $0xffff;
	v1 =	vmul.f32 $1.442695020e+00, v1  }
0x90: {  	v18 =	vld [tilespmem:s28+$0xFFFFFFC0]  }
0x91: {  	v20 =	vld [tilespmem:s29+$0xFFFFFFD0];
	(erf) = vpow2.f32 v1  }
0x92: {  	v2 =	vld.idx.msk [tilespmem:v21+s19+$0x0], $0xffff  }
0x93: {  	v3 =	vld [tilespmem:s29+$0xFFFFFFC0]  }
0x94: {  	v21 =	vld [tilespmem:s28+$0xFFFFFFE0]  }
0x95: {  	v19 =	vld [tilespmem:s28+$0xFFFFFFD0]  }
0x96: {  	v24 =	vld.idx.msk [tilespmem:v24+s19+$0x0], $0xffff  }
0x97: {  	v59 =	vmul.f32 v18, v4;
	v18 =	vld.idx.msk [tilespmem:v27+s19+$0x0], $0xffff  }
0x98: {  	v27 =	vmul.f32 v3, v5;
	v1 =	vld [tilespmem:s29+$0xFFFFFFF0]  }
0x99: {  	v5 =	vmul.f32 v20, v11;
	v11 =	vmul.f32 v21, v12;
	v12 =	vld [tilespmem:s30+$0xFFFFFFC0]  }
0x9a: {  	v13 =	vmul.f32 v31, v13;
	v3 =	vmul.f32 v19, v6;
	v6 =	vld [tilespmem:s31+$0xFFFFFFD0];
	v39 =	vpop (erf)  }
0x9b: {  	v14 =	vmul.f32 v32, v14;
	v19 =	vld [tilespmem:s30+$0xFFFFFFD0];
	v40 =	vadd.f32 $1.000000000e-15, v39;
	v4 =	vsub.f32 $1.000000000e+00, v39  }
0x9c: {  	v16 =	vmul.f32 v33, v16;
	v7 =	vmul.f32 v34, v7;
	v21 =	vld [tilespmem:s30+$0xFFFFFFE0]  }
0x9d: {  	v15 =	vmul.f32 v1, v15;
	v1 =	vld [tilespmem:s31+$0xFFFFFFF0];
	v29 =	vmul.f32 v40, v29;
	v4 =	vadd.f32 $1.000000000e-15, v4  }
0x9e: {  	v25 =	vld.idx.msk [tilespmem:v25+s19+$0x0], $0xffff;
	v9 =	vmul.f32 v35, v9;
	v10 =	vmul.f32 v36, v10  }
0x9f: {  	v17 =	vmul.f32 v37, v17;
	v60 =	vmul.f32 v38, v2;
	vm0 =	vge.f32 v4, v29;
	v4 =	vld [tilespmem:s31+$0xFFFFFFE0]  }
0xa0: {  	v26 =	vld.idx.msk [tilespmem:v26+s19+$0x0], $0xffff;
	v12 =	vmul.f32 v12, v22;
	v22 =	vmul.f32 v3, v6  }
0xa1: {  	v5 =	vmul.f32 v5, v6;
	v3 =	vmul.f32 v19, v23;
	v19 =	vld [tilespmem:s30+$0x0]  }
0xa2: {  	v2 =	vld [tilespmem:s31+$0x0];
	v21 =	vmul.f32 v21, v24;
	v14 =	vmul.f32 v14, v1;
	v29 =	vsel vm0, $0x3F800000, v0  }
0xa3: {  	v28 =	vld.idx.msk [tilespmem:v28+s19+$0x0], $0xffff;
	v15 =	vmul.f32 v15, v1;
	v20 =	vmul.f32 $2.000000030e-01, v29  }
0xa4: {  	v24 =	vld [tilespmem:s30+$0x10];
	v22 =	vadd.f32 v5, v22;
	v11 =	vmul.f32 v11, v4;
	v13 =	vmul.f32 v13, v4  }
0xa5: {  	v14 =	vadd.f32 v15, v14;
	v23 =	vadd.f32 v20, v30;
	v20 =	vmul.f32 v3, v6;
	v3 =	vld [tilespmem:s31+$0x10]  }
0xa6: {  	v5 =	vld [tilespmem:s31+$0x20];
	v15 =	vmul.f32 v19, v26;
	v11 =	vadd.f32 v13, v11;
	v13 =	vmul.f32 v21, v4  }
0xa7: {  	v8 =	vsub.f32 v8, v29;
	v21 =	vmul.f32 v61, v25;
	v25 =	vmul.f32 v7, v2;
	v7 =	vld [tilespmem:s31+$0xFFFFFFC0]  }
0xa8: {  	v16 =	vmul.f32 v16, v2;
	v26 =	vmul.f32 v62, v28;
	v22 =	vadd.f32 v20, v22;
	v20 =	vld [tilespmem:s1+$0xFFFFFFC0];
	[tilespmem:s24+$0x30] =	vst v23  }
0xa9: {  	v15 =	vmul.f32 v15, v2;
	[tilespmem:s31+$0x30] =	vst v8;
	v8 =	vld [tilespmem:s24+$0x20];
	v19 =	vmul.f32 v21, v1;
	v11 =	vadd.f32 v13, v11  }
0xaa: {  	v9 =	vmul.f32 v9, v3;
	v10 =	vmul.f32 v10, v3;
	v13 =	vadd.f32 v25, v16;
	v21 =	vld [tilespmem:s1+$0xFFFFFFD0]  }
0xab: {  	v16 =	vmul.f32 v24, v18;
	v25 =	vmul.f32 v60, v5;
	v18 =	vld [tilespmem:s1+$0xFFFFFFF0];
	v24 =	vadd.f32 v19, v14  }
0xac: {  	v19 =	vld [tilespmem:s1+$0xFFFFFFE0];
	v9 =	vadd.f32 v10, v9;
	v10 =	vmul.f32 v59, v7;
	v27 =	vmul.f32 v27, v7  }
0xad: {  	v22 =	vsub.f32 $0.0e+00, v22;
	v14 =	vmul.f32 v17, v5;
	v16 =	vmul.f32 v16, v3;
	v17 =	vld [tilespmem:s1+$0x0]  }
0xae: {  	v28 =	vadd.f32 v15, v13;
	v15 =	vld [tilespmem:s1+$0x10];
	v12 =	vmul.f32 v12, v7;
	v10 =	vadd.f32 v27, v10  }
0xaf: {  	v13 =	vld [tilespmem:s1+$0x20];
	v11 =	vsub.f32 $0.0e+00, v11;
	v14 =	vadd.f32 v25, v14;
	v25 =	vmul.f32 v26, v5  }
0xb0: {  	v63 =	vmul.f32 $1.442695020e+00, v22;
	v9 =	vadd.f32 v16, v9;
	v16 =	vld [tilespmem:s24+$0xFFFFFFC0];
	v10 =	vadd.f32 v12, v10  }
0xb1: {  	v26 =	vsub.f32 $0.0e+00, v28;
	v22 =	vmul.f32 $1.442695020e+00, v11;
	v11 =	vld [tilespmem:s24+$0xFFFFFFF0];
	v25 =	vadd.f32 v25, v14  }
0xb2: {  	(erf) = vpow2.f32 v63;
	v14 =	vld [tilespmem:s24+$0xFFFFFFD0];
	v27 =	vsub.f32 $0.0e+00, v9;
	v10 =	vsub.f32 $0.0e+00, v10  }
0xb3: {  	v24 =	vsub.f32 $0.0e+00, v24;
	v23 =	vmul.f32 $1.442695020e+00, v26;
	v9 =	vld [tilespmem:s24+$0x0];
	v25 =	vsub.f32 $0.0e+00, v25  }
0xb4: {  	s3 =	simm.s32 $0x0;
	s6 =	simm.s32 $0x1940;
	s0 =	simm.s32 $0x16F40;
	v12 =	vld [tilespmem:s24+$0xFFFFFFE0];
	v26 =	vmul.f32 $1.442695020e+00, v27;
	v27 =	vmul.f32 $1.442695020e+00, v10  }
0xb5: {  	s2 =	simm.s32 $0x40;
	s7 =	simm.s32 $0x16F40;
	s13 =	simm.s32 $0x32C0;
	[tilespmem:s0+$0x30] =	vst v29;
	v24 =	vmul.f32 $1.442695020e+00, v24;
	v25 =	vmul.f32 $1.442695020e+00, v25;
	v10 =	vld [tilespmem:s24+$0x10]  }
.LBB2_4:
0xb6: {  	v28 =	vld [tilespmem:s13+$0x30];
	s25 =	sadd.s32 $0x80, s25;
	(erf) = vpow2.f32 v27  }
0xb7: {  	s26 =	sadd.s32 $0x80, s26;
	v27 =	vld [tilespmem:s25+$0x30];
	(erf) = vpow2.f32 v22  }
0xb8: {  	v29 =	vld [tilespmem:s26+$0x30];
	(erf) = vpow2.f32 v24  }
0xb9: {  	s3 =	sadd.s32 $0x8, s3;
	v24 =	vld [tilespmem:s13+$0xFFFFFFC0];
	(erf) = vpow2.f32 v23  }
0xba: {  	p0 =	slt.u32 s3, $0x188;
	v23 =	vld [tilespmem:s25+$0xFFFFFFC0];
	(erf) = vpow2.f32 v26  }
0xbb: {  	s28 =	sadd.s32 $0x80, s28;
	v22 =	vld [tilespmem:s13+$0xFFFFFFD0];
	(erf) = vpow2.f32 v25  }
0xbc: {  	s29 =	sadd.s32 $0x80, s29;
	v25 =	vld [tilespmem:s28+$0x30]  }
0xbd: {  	v26 =	vld [tilespmem:s29+$0x30]  }
0xbe: {  	v28 =	vld.idx.msk [tilespmem:v28+s19+$0x0], $0xffff;
	v30 =	vpop (erf)  }
0xbf: {  	v27 =	vld.idx.msk [tilespmem:v27+s19+$0x0], $0xffff;
	v31 =	vsub.f32 $1.000000000e+00, v30;
	v30 =	vadd.f32 $1.000000000e-15, v30;
	v32 =	vpop (erf)  }
0xc0: {  	s30 =	sadd.s32 $0x80, s30;
	v29 =	vld.idx.msk [tilespmem:v29+s19+$0x0], $0xffff;
	v33 =	vsub.f32 $1.000000000e+00, v32;
	v32 =	vadd.f32 $1.000000000e-15, v32;
	v34 =	vpop (erf)  }
0xc1: {  	s31 =	sadd.s32 $0x80, s31;
	v35 =	vld [tilespmem:s30+$0x30];
	v30 =	vmul.f32 v30, v21;
	v36 =	vsub.f32 $1.000000000e+00, v34;
	v34 =	vadd.f32 $1.000000000e-15, v34;
	v37 =	vpop (erf)  }
0xc2: {  	v21 =	vld [tilespmem:s31+$0x30];
	v20 =	vmul.f32 v32, v20;
	v32 =	vsub.f32 $1.000000000e+00, v37;
	v37 =	vadd.f32 $1.000000000e-15, v37;
	v38 =	vpop (erf)  }
0xc3: {  	v39 =	vld [tilespmem:s25+$0xFFFFFFD0];
	v19 =	vmul.f32 v34, v19;
	v34 =	vsub.f32 $1.000000000e+00, v38;
	v38 =	vadd.f32 $1.000000000e-15, v38;
	v40 =	vpop (erf)  }
0xc4: {  	v41 =	vld [tilespmem:s13+$0xFFFFFFE0];
	v18 =	vmul.f32 v37, v18;
	v37 =	vsub.f32 $1.000000000e+00, v40;
	v40 =	vadd.f32 $1.000000000e-15, v40;
	v42 =	vpop (erf)  }
0xc5: {  	v25 =	vmul.f32 v25, v28;
	v26 =	vmul.f32 v26, v27;
	v43 =	vld [tilespmem:s25+$0xFFFFFFE0];
	v27 =	vsub.f32 $1.000000000e+00, v42  }
0xc6: {  	v33 =	vadd.f32 $1.000000000e-15, v33;
	v28 =	vld [tilespmem:s13+$0xFFFFFFF0];
	v29 =	vmul.f32 v35, v29;
	v35 =	vadd.f32 $1.000000000e-15, v42  }
0xc7: {  	v31 =	vadd.f32 $1.000000000e-15, v31;
	v42 =	vld [tilespmem:s25+$0xFFFFFFF0];
	v25 =	vmul.f32 v25, v21;
	v26 =	vmul.f32 v26, v21  }
0xc8: {  	v36 =	vadd.f32 $1.000000000e-15, v36;
	v32 =	vadd.f32 $1.000000000e-15, v32;
	v17 =	vmul.f32 v38, v17;
	v44 =	vld [tilespmem:s13+$0x0]  }
0xc9: {  	v29 =	vmul.f32 v29, v21;
	v38 =	vld [tilespmem:s25+$0x0];
	v25 =	vadd.f32 v26, v25;
	v26 =	vadd.f32 $1.000000000e-15, v34  }
0xca: {  	v37 =	vadd.f32 $1.000000000e-15, v37;
	v15 =	vmul.f32 v40, v15;
	v27 =	vadd.f32 $1.000000000e-15, v27;
	v34 =	vld [tilespmem:s13+$0x10]  }
0xcb: {  	vm0 =	vge.f32 v33, v20;
	v20 =	vmul.f32 v35, v13;
	v40 =	vld [tilespmem:s25+$0x10];
	v25 =	vadd.f32 v29, v25  }
0xcc: {  	vm1 =	vge.f32 v31, v30;
	vm2 =	vge.f32 v36, v19;
	vm3 =	vge.f32 v32, v18;
	v29 =	vld [tilespmem:s13+$0x20]  }
0xcd: {  	vm5 =	vge.f32 v37, v15;
	vm4 =	vge.f32 v26, v17;
	v19 =	vld [tilespmem:s25+$0x20];
	v18 =	vsub.f32 $0.0e+00, v25  }
0xce: {  	v26 =	vsel vm1, $0x3F800000, v0;
	v25 =	vsel vm0, $0x3F800000, v0;
	vm0 =	vge.f32 v27, v20;
	v13 =	vld [tilespmem:s26+$0xFFFFFFC0]  }
0xcf: {  	v30 =	vsel vm3, $0x3F800000, v0;
	v27 =	vsel vm2, $0x3F800000, v0;
	v15 =	vld [tilespmem:s26+$0xFFFFFFD0];
	v20 =	vmul.f32 $1.442695020e+00, v18  }
0xd0: {  	v32 =	vsel vm5, $0x3F800000, v0;
	v31 =	vsel vm4, $0x3F800000, v0;
	v33 =	vsel vm0, $0x3F800000, v0;
	v17 =	vld [tilespmem:s26+$0xFFFFFFE0]  }
0xd1: {  	v35 =	vsub.f32 v7, v25;
	v18 =	vld [tilespmem:s26+$0xFFFFFFF0];
	(erf) = vpow2.f32 v20;
	v20 =	vmul.f32 $2.000000030e-01, v25  }
0xd2: {  	v36 =	vmul.f32 $2.000000030e-01, v26;
	v37 =	vsub.f32 v6, v26;
	v45 =	vmul.f32 $2.000000030e-01, v27;
	v7 =	vld [tilespmem:s26+$0x0]  }
0xd3: {  	v46 =	vmul.f32 $2.000000030e-01, v30;
	v47 =	vmul.f32 $2.000000030e-01, v31;
	v6 =	vld [tilespmem:s26+$0x10];
	v20 =	vadd.f32 v20, v16  }
0xd4: {  	v14 =	vadd.f32 v36, v14;
	v36 =	vmul.f32 $2.000000030e-01, v32;
	v48 =	vmul.f32 $2.000000030e-01, v33;
	v16 =	vld [tilespmem:s26+$0x20]  }
0xd5: {  	v11 =	vadd.f32 v46, v11;
	v12 =	vadd.f32 v45, v12;
	v24 =	vld.idx.msk [tilespmem:v24+s19+$0x0], $0xffff;
	[tilespmem:s24+$0xFFFFFFC0] =	vst v20  }
0xd6: {  	v9 =	vadd.f32 v47, v9;
	v10 =	vadd.f32 v36, v10;
	v20 =	vld.idx.msk [tilespmem:v23+s19+$0x0], $0xffff;
	[tilespmem:s6+$0xFFFFFFC0] =	vst v35  }
0xd7: {  	s1 =	sadd.s32 $0x80, s1;
	v4 =	vsub.f32 v4, v27;
	v8 =	vadd.f32 v48, v8;
	v22 =	vld.idx.msk [tilespmem:v22+s19+$0x0], $0xffff;
	[tilespmem:s0+$0xFFFFFFC0] =	vst v25  }
0xd8: {  	v1 =	vsub.f32 v1, v30;
	v2 =	vsub.f32 v2, v31;
	v23 =	vld [tilespmem:s1+$0x30];
	[tilespmem:s24+$0xFFFFFFD0] =	vst v14  }
0xd9: {  	v3 =	vsub.f32 v3, v32;
	v5 =	vsub.f32 v5, v33;
	v14 =	vld.idx.msk [tilespmem:v39+s19+$0x0], $0xffff;
	[tilespmem:s6+$0xFFFFFFD0] =	vst v37  }
0xda: {  	v25 =	vld.idx.msk [tilespmem:v41+s19+$0x0], $0xffff;
	v35 =	vpop (erf);
	[tilespmem:s0+$0xFFFFFFD0] =	vst v26  }
0xdb: {  	v26 =	vld.idx.msk [tilespmem:v43+s19+$0x0], $0xffff;
	v36 =	vsub.f32 $1.000000000e+00, v35;
	v35 =	vadd.f32 $1.000000000e-15, v35;
	[tilespmem:s24+$0xFFFFFFE0] =	vst v12  }
0xdc: {  	v12 =	vld.idx.msk [tilespmem:v28+s19+$0x0], $0xffff;
	[tilespmem:s6+$0xFFFFFFE0] =	vst v4  }
0xdd: {  	s24 =	sadd.s32 $0x80, s24;
	v4 =	vld.idx.msk [tilespmem:v42+s19+$0x0], $0xffff;
	v28 =	vadd.f32 $1.000000000e-15, v36;
	v23 =	vmul.f32 v35, v23;
	[tilespmem:s0+$0xFFFFFFE0] =	vst v27  }
0xde: {  	v27 =	vld [tilespmem:s24+$0x30];
	[tilespmem:s2+$0xFFFFFFF0] =	vst v11  }
0xdf: {  	v11 =	vld.idx.msk [tilespmem:v44+s19+$0x0], $0xffff;
	vm0 =	vge.f32 v28, v23;
	[tilespmem:s6+$0xFFFFFFF0] =	vst v1  }
0xe0: {  	v1 =	vld.idx.msk [tilespmem:v38+s19+$0x0], $0xffff;
	v23 =	vsel vm0, $0x3F800000, v0;
	[tilespmem:s0+$0xFFFFFFF0] =	vst v30  }
0xe1: {  	v28 =	vld.idx.msk [tilespmem:v34+s19+$0x0], $0xffff;
	v30 =	vmul.f32 $2.000000030e-01, v23;
	[tilespmem:s2+$0x0] =	vst v9  }
0xe2: {  	v9 =	vld.idx.msk [tilespmem:v40+s19+$0x0], $0xffff;
	[tilespmem:s6+$0x0] =	vst v2  }
0xe3: {  	v2 =	vld.idx.msk [tilespmem:v29+s19+$0x0], $0xffff;
	v27 =	vadd.f32 v30, v27;
	[tilespmem:s0+$0x0] =	vst v31  }
0xe4: {  	v21 =	vsub.f32 v21, v23;
	v19 =	vld.idx.msk [tilespmem:v19+s19+$0x0], $0xffff;
	[tilespmem:s2+$0x10] =	vst v10  }
0xe5: {  	v10 =	vld [tilespmem:s28+$0xFFFFFFC0];
	[tilespmem:s24+$0x30] =	vst v27  }
0xe6: {  	s0 =	sadd.s32 $0x80, s0;
	v27 =	vld [tilespmem:s29+$0xFFFFFFC0];
	[tilespmem:s31+$0x30] =	vst v21  }
0xe7: {  	v21 =	vld [tilespmem:s28+$0xFFFFFFD0];
	[tilespmem:s0+$0x30] =	vst v23  }
0xe8: {  	v23 =	vld [tilespmem:s29+$0xFFFFFFD0];
	[tilespmem:s6+$0x10] =	vst v3  }
0xe9: {  	v3 =	vld [tilespmem:s28+$0xFFFFFFE0];
	[tilespmem:s7+$0x10] =	vst v32  }
0xea: {  	v10 =	vmul.f32 v10, v24;
	v24 =	vld [tilespmem:s29+$0xFFFFFFE0];
	[tilespmem:s2+$0x20] =	vst v8;
	s2 =	smov.u32 s24  }
0xeb: {  	v8 =	vmul.f32 v27, v20;
	v20 =	vld [tilespmem:s28+$0xFFFFFFF0];
	[tilespmem:s6+$0x20] =	vst v5;
	s6 =	smov.u32 s31  }
0xec: {  	v5 =	vmul.f32 v21, v22;
	v21 =	vld [tilespmem:s29+$0xFFFFFFF0];
	[tilespmem:s7+$0x20] =	vst v33;
	s7 =	smov.u32 s0  }
0xed: {  	v14 =	vmul.f32 v23, v14;
	v22 =	vld [tilespmem:s28+$0x0]  }
0xee: {  	v3 =	vmul.f32 v3, v25;
	v23 =	vld [tilespmem:s29+$0x0]  }
0xef: {  	v24 =	vmul.f32 v24, v26;
	v25 =	vld [tilespmem:s28+$0x10]  }
0xf0: {  	v12 =	vmul.f32 v20, v12;
	v20 =	vld [tilespmem:s29+$0x10]  }
0xf1: {  	v21 =	vmul.f32 v21, v4;
	v4 =	vld [tilespmem:s28+$0x20]  }
0xf2: {  	v11 =	vmul.f32 v22, v11;
	v22 =	vld [tilespmem:s29+$0x20]  }
0xf3: {  	v13 =	vld.idx.msk [tilespmem:v13+s19+$0x0], $0xffff;
	v23 =	vmul.f32 v23, v1  }
0xf4: {  	v15 =	vld.idx.msk [tilespmem:v15+s19+$0x0], $0xffff;
	v25 =	vmul.f32 v25, v28  }
0xf5: {  	v17 =	vld.idx.msk [tilespmem:v17+s19+$0x0], $0xffff;
	v9 =	vmul.f32 v20, v9  }
0xf6: {  	v18 =	vld.idx.msk [tilespmem:v18+s19+$0x0], $0xffff;
	v26 =	vmul.f32 v4, v2  }
0xf7: {  	v20 =	vld.idx.msk [tilespmem:v7+s19+$0x0], $0xffff;
	v22 =	vmul.f32 v22, v19  }
0xf8: {  	v19 =	vld.idx.msk [tilespmem:v6+s19+$0x0], $0xffff  }
0xf9: {  	v16 =	vld.idx.msk [tilespmem:v16+s19+$0x0], $0xffff  }
0xfa: {  	v1 =	vld [tilespmem:s30+$0xFFFFFFC0]  }
0xfb: {  	v6 =	vld [tilespmem:s31+$0xFFFFFFD0]  }
0xfc: {  	v2 =	vld [tilespmem:s30+$0xFFFFFFD0]  }
0xfd: {  	v4 =	vld [tilespmem:s31+$0xFFFFFFE0]  }
0xfe: {  	v7 =	vld [tilespmem:s30+$0xFFFFFFE0]  }
0xff: {  	v13 =	vmul.f32 v1, v13;
	v1 =	vld [tilespmem:s31+$0xFFFFFFF0]  }
0x100: {  	v5 =	vmul.f32 v5, v6;
	v14 =	vmul.f32 v14, v6;
	v27 =	vld [tilespmem:s30+$0xFFFFFFF0]  }
0x101: {  	v15 =	vmul.f32 v2, v15;
	v2 =	vld [tilespmem:s31+$0x0]  }
0x102: {  	v5 =	vadd.f32 v14, v5;
	v14 =	vmul.f32 v3, v4;
	v24 =	vmul.f32 v24, v4;
	v28 =	vld [tilespmem:s30+$0x0]  }
0x103: {  	v15 =	vmul.f32 v15, v6;
	v7 =	vmul.f32 v7, v17;
	v3 =	vld [tilespmem:s31+$0x10]  }
0x104: {  	v14 =	vadd.f32 v24, v14;
	v12 =	vmul.f32 v12, v1;
	v17 =	vmul.f32 v21, v1;
	v24 =	vld [tilespmem:s30+$0x10]  }
0x105: {  	v29 =	vadd.f32 v15, v5;
	v15 =	vmul.f32 v7, v4;
	v18 =	vmul.f32 v27, v18;
	v5 =	vld [tilespmem:s31+$0x20]  }
0x106: {  	v12 =	vadd.f32 v17, v12;
	v11 =	vmul.f32 v11, v2;
	v17 =	vmul.f32 v23, v2;
	v23 =	vld [tilespmem:s30+$0x20]  }
0x107: {  	v7 =	vld [tilespmem:s31+$0xFFFFFFC0];
	v14 =	vadd.f32 v15, v14;
	v15 =	vmul.f32 v18, v1;
	v18 =	vmul.f32 v28, v20  }
0x108: {  	v20 =	vld [tilespmem:s1+$0xFFFFFFC0];
	v11 =	vadd.f32 v17, v11;
	v17 =	vmul.f32 v25, v3;
	v9 =	vmul.f32 v9, v3  }
0x109: {  	v21 =	vld [tilespmem:s1+$0xFFFFFFD0];
	v12 =	vadd.f32 v15, v12;
	v15 =	vmul.f32 v18, v2;
	v24 =	vmul.f32 v24, v19  }
0x10a: {  	v19 =	vld [tilespmem:s1+$0xFFFFFFE0];
	v9 =	vadd.f32 v9, v17;
	v25 =	vmul.f32 v26, v5;
	v22 =	vmul.f32 v22, v5  }
0x10b: {  	v18 =	vld [tilespmem:s1+$0xFFFFFFF0];
	v11 =	vadd.f32 v15, v11;
	v15 =	vmul.f32 v24, v3;
	v16 =	vmul.f32 v23, v16  }
0x10c: {  	v10 =	vmul.f32 v10, v7;
	v8 =	vmul.f32 v8, v7;
	v17 =	vld [tilespmem:s1+$0x0];
	v22 =	vadd.f32 v22, v25  }
0x10d: {  	v23 =	vmul.f32 v13, v7;
	v9 =	vadd.f32 v15, v9;
	v15 =	vld [tilespmem:s1+$0x10];
	v24 =	vmul.f32 v16, v5  }
0x10e: {  	v8 =	vadd.f32 v8, v10;
	v10 =	vsub.f32 $0.0e+00, v29;
	v13 =	vld [tilespmem:s1+$0x20]  }
0x10f: {  	v25 =	vsub.f32 $0.0e+00, v14;
	v16 =	vld [tilespmem:s24+$0xFFFFFFC0];
	v26 =	vadd.f32 v24, v22  }
0x110: {  	v8 =	vadd.f32 v23, v8;
	v28 =	vmul.f32 $1.442695020e+00, v10;
	v14 =	vld [tilespmem:s24+$0xFFFFFFD0];
	v10 =	vsub.f32 $0.0e+00, v12  }
.Ltmp1:
0x111: {  	v22 =	vmul.f32 $1.442695020e+00, v25;
	v25 =	vsub.f32 $0.0e+00, v9;
	v23 =	vsub.f32 $0.0e+00, v11;
	v12 =	vld [tilespmem:s24+$0xFFFFFFE0];
	(pc) =	sbr.rel @p0 .LBB2_4-.Ltmp1, $4  }
0x112: {  	v29 =	vsub.f32 $0.0e+00, v26;
	v8 =	vsub.f32 $0.0e+00, v8;
	v24 =	vmul.f32 $1.442695020e+00, v10;
	v11 =	vld [tilespmem:s24+$0xFFFFFFF0]  }
0x113: {  	v26 =	vmul.f32 $1.442695020e+00, v25;
	v23 =	vmul.f32 $1.442695020e+00, v23;
	v9 =	vld [tilespmem:s24+$0x0]  }
0x114: {  	v25 =	vmul.f32 $1.442695020e+00, v29;
	v27 =	vmul.f32 $1.442695020e+00, v8;
	v10 =	vld [tilespmem:s24+$0x10]  }
0x115: {  	s13 =	sadd.s32 $0x80, s13;
	v8 =	vld [tilespmem:s24+$0x20];
	(erf) = vpow2.f32 v28  }
0x116: {  	(erf) = vpow2.f32 v27;
	_ =	sdelay $0x2  }
0x117: {  	(erf) = vpow2.f32 v22  }
0x118: {  	(erf) = vpow2.f32 v24;
	_ =	sdelay $0x3  }
0x119: {  	v36 =	vpop (erf)  }
0x11a: {  	v37 =	vpop (erf);
	v39 =	vadd.f32 $1.000000000e-15, v36;
	v22 =	vsub.f32 $1.000000000e+00, v36  }
0x11b: {  	(erf) = vpow2.f32 v23;
	v38 =	vsub.f32 $1.000000000e+00, v37;
	v24 =	vadd.f32 $1.000000000e-15, v37  }
0x11c: {  	(erf) = vpow2.f32 v26;
	v21 =	vmul.f32 v39, v21;
	v22 =	vadd.f32 $1.000000000e-15, v22  }
0x11d: {  	v40 =	vpop (erf);
	(erf) = vpow2.f32 v25;
	v20 =	vmul.f32 v24, v20;
	v23 =	vadd.f32 $1.000000000e-15, v38  }
0x11e: {  	v41 =	vadd.f32 $1.000000000e-15, v40;
	v42 =	vpop (erf);
	v24 =	vsub.f32 $1.000000000e+00, v40;
	vm10 =	vge.f32 v22, v21  }
0x11f: {  	v44 =	vadd.f32 $1.000000000e-15, v42;
	vm0 =	vge.f32 v23, v20;
	v21 =	vsel vm10, $0x3F800000, v0  }
0x120: {  	v46 =	vsub.f32 $1.000000000e+00, v42;
	v23 =	vsel vm0, $0x3F800000, v0;
	v48 =	vmul.f32 $2.000000030e-01, v21  }
0x121: {  	v19 =	vmul.f32 v41, v19;
	v45 =	vadd.f32 $1.000000000e-15, v24;
	v43 =	vmul.f32 $2.000000030e-01, v23  }
0x122: {  	v18 =	vmul.f32 v44, v18;
	v50 =	vadd.f32 $1.000000000e-15, v46;
	v14 =	vadd.f32 v48, v14  }
0x123: {  	v16 =	vadd.f32 v43, v16  }
0x124: {  	v6 =	vsub.f32 v6, v21;
	vm11 =	vge.f32 v45, v19;
	vm12 =	vge.f32 v50, v18;
	[tilespmem:s24+$0xFFFFFFD0] =	vst v14  }
0x125: {  	v7 =	vsub.f32 v7, v23;
	v47 =	vpop (erf);
	v19 =	vsel vm11, $0x3F800000, v0;
	v55 =	vsel vm12, $0x3F800000, v0;
	[tilespmem:s24+$0xFFFFFFC0] =	vst v16  }
0x126: {  	v49 =	vadd.f32 $1.000000000e-15, v47;
	v51 =	vsub.f32 $1.000000000e+00, v47;
	v52 =	vpop (erf);
	v53 =	vmul.f32 $2.000000030e-01, v19;
	[tilespmem:s6+$0xFFFFFFD0] =	vst v6  }
0x127: {  	v58 =	vmul.f32 $2.000000030e-01, v55;
	v54 =	vsub.f32 $1.000000000e+00, v52;
	v56 =	vadd.f32 $1.000000000e-15, v52;
	[tilespmem:s6+$0xFFFFFFC0] =	vst v7  }
0x128: {  	v17 =	vmul.f32 v49, v17;
	v12 =	vadd.f32 v53, v12;
	v7 =	vadd.f32 $1.000000000e-15, v51;
	[tilespmem:s0+$0xFFFFFFD0] =	vst v21  }
0x129: {  	v11 =	vadd.f32 v58, v11;
	v60 =	vadd.f32 $1.000000000e-15, v54;
	v6 =	vmul.f32 v56, v15;
	[tilespmem:s0+$0xFFFFFFC0] =	vst v23  }
0x12a: {  	v4 =	vsub.f32 v4, v19;
	v1 =	vsub.f32 v1, v55;
	v57 =	vpop (erf);
	[tilespmem:s24+$0xFFFFFFE0] =	vst v12;
	vm13 =	vge.f32 v7, v17  }
0x12b: {  	v59 =	vsub.f32 $1.000000000e+00, v57;
	[tilespmem:s2+$0xFFFFFFF0] =	vst v11;
	vm14 =	vge.f32 v60, v6;
	v7 =	vsel vm13, $0x3F800000, v0  }
0x12c: {  	v61 =	vadd.f32 $1.000000000e-15, v57;
	[tilespmem:s6+$0xFFFFFFE0] =	vst v4;
	v6 =	vsel vm14, $0x3F800000, v0;
	v62 =	vmul.f32 $2.000000030e-01, v7  }
0x12d: {  	[tilespmem:s6+$0xFFFFFFF0] =	vst v1;
	v1 =	vmul.f32 $2.000000030e-01, v6  }
0x12e: {  	v63 =	vadd.f32 $1.000000000e-15, v59;
	v4 =	vmul.f32 v61, v13;
	[tilespmem:s0+$0xFFFFFFE0] =	vst v19;
	v9 =	vadd.f32 v62, v9  }
0x12f: {  	[tilespmem:s0+$0xFFFFFFF0] =	vst v55;
	v1 =	vadd.f32 v1, v10  }
0x130: {  	v2 =	vsub.f32 v2, v7;
	vm15 =	vge.f32 v63, v4;
	[tilespmem:s2+$0x0] =	vst v9  }
0x131: {  	v3 =	vsub.f32 v3, v6;
	v4 =	vsel vm15, $0x3F800000, v0;
	[tilespmem:s2+$0x10] =	vst v1  }
0x132: {  	[tilespmem:s6+$0x0] =	vst v2;
	v2 =	vmul.f32 $2.000000030e-01, v4  }
0x133: {  	s22 =	sadd.s32 $0x1, s22;
	[tilespmem:s6+$0x10] =	vst v3  }
0x134: {  	p0 =	sne.s32 s22, $0x6;
	[tilespmem:s0+$0x0] =	vst v7;
	v1 =	vadd.f32 v2, v8  }
.Ltmp2:
0x135: {  	[tilespmem:s7+$0x10] =	vst v6;
	v2 =	vsub.f32 v5, v4;
	(pc) =	sbr.rel @p0 .LBB2_3-.Ltmp2, $4  }
0x136: {  	[tilespmem:s2+$0x20] =	vst v1  }
0x137: {  	[tilespmem:s6+$0x20] =	vst v2  }
0x138: {  	s31 =	sadd.s32 s8, s23;
	[tilespmem:s7+$0x20] =	vst v4  }
0x139: {  	[hbm4b:s31+s9] =	stream.linear.scatter [tilespmem:s21], [sflag:$0x3], $0x1900, $0x38;
	[tilespmem:$0x199E0] =	vst v63  }
0x13a: {  	s0 =	simm.s32 $0x3  }
0x13b: {  	_ =	swait.ge [sflag:s0], $0x1900  }
0x13c: {  	s2 =	rddreg [dreg:$0x4]  }
0x13d: {  	s28 =	simm.s32 $0x0;
	[sflag:s0] =	ssyncset.done $0x0;
	s1 =	rddreg [dreg:$0x6]  }
0x13e: {  	s29 =	simm.s32 $0x4;
	s1 =	sadd.s32 s1, s2;
	[sflag:s0] =	ssyncadd.s32 $0xFFFFE700  }
0x13f: {  	[hbm4b:s1+s28] =	stream.linear.scatter [tilespmem:s28], [sflag:$0x4], $0x1900, $0x38;
	[tilespmem:$0x199E0] =	vst v63  }
0x140: {  	_ =	swait.ge [sflag:s29], $0x1900  }
0x141: {  	[sflag:s29] =	ssyncset.done $0x0;
	s3 =	rddreg [dreg:$0x5]  }
0x142: {  	s30 =	simm.s32 $0x1900;
	s2 =	sadd.s32 s3, s2;
	[sflag:s29] =	ssyncadd.s32 $0xFFFFE700  }
0x143: {  	[hbm4b:s2+s28] =	stream.linear.scatter [tilespmem:s30], [sflag:$0x4], $0x1900, $0x38;
	[tilespmem:$0x199E0] =	vst v63  }
0x144: {  	_ =	swait.ge [sflag:s29], $0x1900  }
0x145: {  	[sflag:s29] =	ssyncset.done $0x0  }
0x146: {  	[sflag:s29] =	ssyncadd.s32 $0xFFFFE700  }
0x147: {  	_ =	sfence.sel $0x180000  }
0x148: {  	[bflag:$0x0] =	sbarrier.arrive $0xFFFF  }
0x149: {  	_ =	strace $0x9000004A  }
0x14a: {  	s31 =	stileid.u32;
	[bflag:$0x2] =	sbarrier.arrive $0xFFFF  }
0x14b: {  	p0 =	sne.s32 s31, $0x0;
	s0 =	rddreg [dreg:$0x3]  }
0x14c: {  	s0 =	sadd.s32 @!p0 $0x100000, s0  }
0x14d: {  	[sflag:s0] =	ssyncadd.tile.s32 @!p0 $0x1;
	_ =	shalt  }
.Lfunc_end2:
_tile_overlayer_lowered:
.L_overlay_start_2:
0x14e: {  	(tag) =	ssettag $0x2  }
0x14f: {  	s0 =	rddreg [dreg:$0x0];
	s2 =	stileid.u32  }
0x150: {  	s1 =	rddreg [dreg:$0x1];
	p0 =	sne.s32 s2, $0x0  }
0x151: {  	s3 =	rddreg [dreg:$0x2];
	[bflag:$0x3] =	sbarrier.arrive $0xFFFF;
	s2 =	simm.s32 @!p0 $0x1C04  }
0x152: {  	[timem:s3], [sflag:s2] =	dma.local @!p0 [hbm:s0], s1  }
0x153: {  	s0 =	simm.s32 @!p0 $0x4  }
0x154: {  	_ =	swait.ge @!p0 [sflag:s0], s1  }
0x155: {  	s1 =	ssub.s32 @!p0 $0x0, s1;
	[sflag:s0] =	ssyncset.done @!p0 $0x0  }
0x156: {  	[sflag:s0] =	ssyncadd.s32 @!p0 s1  }
0x157: {  	[bflag:$0x3] =	sbarrier.arrive $0xFFFF  }
0x158: {  	_ =	shalt  }

</sc_bundles>
